<compile_context>
chip_gen: v7x
topology: tpu7x:2x2x1
jax: 0.10.2.dev20260603
libtpu: 0.0.44.dev20260713+nightly
codegen_flags: <defaults>
</compile_context>

<pallas_src>
import jax
import jax.numpy as jnp
from jax import lax
from jax.experimental import pallas as pl
from jax.experimental.pallas import tpu as pltpu
from jax.experimental.pallas import tpu_sc as plsc

_B, _T, _D = 4096, 32, 2048

_NC, _NS, _L = 2, 16, 16
_NW = _NC * _NS
_ROWS_PER_W = _B // _NW
_HW = 1024
_NH = _D // _HW
_CH = _HW // _L
_XG = 8
_S = _ROWS_PER_W * _NH


def _minmax_body(x_ref, mn_ref, mx_ref):
    i = pl.program_id(0)
    bmn = jnp.min(x_ref[...])
    bmx = jnp.max(x_ref[...])

    @pl.when(i == 0)
    def _init():
        mn_ref[...] = jnp.full((8, 128), bmn, jnp.float32)
        mx_ref[...] = jnp.full((8, 128), bmx, jnp.float32)

    @pl.when(i != 0)
    def _acc():
        mn_ref[...] = jnp.minimum(mn_ref[...], bmn)
        mx_ref[...] = jnp.maximum(mx_ref[...], bmx)


def _minmax(x):
    return pl.pallas_call(
        _minmax_body,
        grid=(8,),
        in_specs=[pl.BlockSpec((_B // 8, _D), lambda i: (i, 0))],
        out_specs=[
            pl.BlockSpec((8, 128), lambda i: (0, 0)),
            pl.BlockSpec((8, 128), lambda i: (0, 0)),
        ],
        out_shape=[
            jax.ShapeDtypeStruct((8, 128), jnp.float32),
            jax.ShapeDtypeStruct((8, 128), jnp.float32),
        ],
    )(x)


_NG = _ROWS_PER_W // _XG


def _sc_spike_body(x_hbm, mn_hbm, mx_hbm, out_hbm,
                   xbuf0, xbuf1, slab0, slab1, tb0, tb1, mnv, mxv,
                   sem0, sem1, semx0, semx1):
    wid = lax.axis_index("s") * _NC + lax.axis_index("c")
    row0 = wid * _ROWS_PER_W

    pltpu.sync_copy(mn_hbm, mnv)
    pltpu.sync_copy(mx_hbm, mxv)
    mn = mnv[0, pl.ds(0, _L)]
    dnm = mxv[0, pl.ds(0, _L)] - mn + jnp.float32(1e-6)

    zeros = jnp.zeros((_L,), jnp.float32)
    izeros = jnp.zeros((_L,), jnp.int32)
    ones = jnp.ones((_L,), jnp.float32)
    lane = lax.iota(jnp.int32, _L)

    @plsc.parallel_loop(0, _T * _CH, unroll=4)
    def _zero_slabs(i):
        r = i // _CH
        c = (i % _CH) * _L
        slab0[r, pl.ds(c, _L)] = zeros
        slab1[r, pl.ds(c, _L)] = zeros

    @plsc.parallel_loop(0, _CH, unroll=4)
    def _zero_tb(c):
        tb0[pl.ds(c * _L, _L)] = izeros
        tb1[pl.ds(c * _L, _L)] = izeros

    def _xload(k, xbuf, semx):
        b8 = pl.multiple_of(row0 + k * _XG, _XG)
        return pltpu.make_async_copy(x_hbm.at[pl.ds(b8, _XG)], xbuf, semx)

    def _dma(g, slab, sem):
        brow = g // _NH
        h = g % _NH
        off = pl.multiple_of(h * _HW, _HW)
        return pltpu.make_async_copy(
            slab, out_hbm.at[row0 + brow, :, pl.ds(off, _HW)], sem)

    def _reset(slab, tb):
        @plsc.parallel_loop(0, _CH, unroll=8)
        def _chunk(c):
            t = tb[pl.ds(c * _L, _L)]
            dl = lane + c * _L
            plsc.store_scatter(slab, [t, dl], zeros)

    def _compute(jj, h, slab, tb, xbuf):
        @plsc.parallel_loop(0, _CH, unroll=8)
        def _chunk(c):
            xs = xbuf[jj, pl.ds(h * _HW + c * _L, _L)]
            xn = (xs - mn) / dnm
            t = ((jnp.float32(1.0) - xn) * jnp.float32(_T - 1)).astype(jnp.int32)
            dl = lane + c * _L
            plsc.store_scatter(slab, [t, dl], ones)
            tb[pl.ds(c * _L, _L)] = t

    _dma(0, slab0, sem0).start()
    _dma(1, slab1, sem1).start()
    _xload(0, xbuf0, semx0).start()
    _xload(1, xbuf1, semx1).start()

    def _group(k, xbuf, semx):
        _xload(k, xbuf, semx).wait()

        def _steps(jj, carry):
            for jp, (slab, tb, sem) in enumerate(
                    ((slab0, tb0, sem0), (slab1, tb1, sem1))):
                g = k * (_XG * _NH) + jj * _NH + jp
                _dma(g, slab, sem).wait()
                _reset(slab, tb)
                _compute(jj, jp, slab, tb, xbuf)
                _dma(g, slab, sem).start()
            return carry

        lax.fori_loop(0, _XG, _steps, 0)

        @pl.when(k < _NG - 2)
        def _prefetch():
            _xload(k + 2, xbuf, semx).start()

    def _groups(kk, carry):
        _group(kk * 2, xbuf0, semx0)
        _group(kk * 2 + 1, xbuf1, semx1)
        return carry

    lax.fori_loop(0, _NG // 2, _groups, 0)
    _dma(_S - 2, slab0, sem0).wait()
    _dma(_S - 1, slab1, sem1).wait()


def _sc_spikes(x, mn16, mx16):
    mesh = plsc.VectorSubcoreMesh(
        core_axis_name="c", subcore_axis_name="s",
        num_cores=_NC, num_subcores=_NS)
    f = pl.kernel(
        _sc_spike_body,
        out_type=jax.ShapeDtypeStruct((_B, _T, _D), jnp.float32),
        mesh=mesh,
        scratch_types=[
            pltpu.VMEM((_XG, _D), jnp.float32),
            pltpu.VMEM((_XG, _D), jnp.float32),
            pltpu.VMEM((_T, _HW), jnp.float32),
            pltpu.VMEM((_T, _HW), jnp.float32),
            pltpu.VMEM((_HW,), jnp.int32),
            pltpu.VMEM((_HW,), jnp.int32),
            pltpu.VMEM((8, 128), jnp.float32),
            pltpu.VMEM((8, 128), jnp.float32),
            pltpu.SemaphoreType.DMA,
            pltpu.SemaphoreType.DMA,
            pltpu.SemaphoreType.DMA,
            pltpu.SemaphoreType.DMA,
        ],
        compiler_params=pltpu.CompilerParams(
            use_tc_tiling_on_sc=True, needs_layout_passes=False),
    )
    return f(x, mn16, mx16)


def kernel(x):
    mn, mx = _minmax(x)
    return _sc_spikes(x, mn, mx)

# --- scband reference (transcript-rebuilt; emitter-appended) ---
"""Pipeline reference for scband-universal-encoder-65524021067817 (READ-ONLY COPY).

The authoritative reference and input builder live on the scoring server;
editing this copy changes nothing except your own understanding.
"""

import jax, jax.numpy as jnp
import numpy as np

B = 4096
T = 32  # time_steps
D = 2048  # output_dim


def setup_inputs(seed: int = 0) -> dict:
    key = jax.random.key(seed)
    x = jax.random.uniform(key, (B, D), dtype=jnp.float32)
    return {"x": x}


def reference(x):
    # latency encoding path of UniversalEncoder.forward (method='latency')
    x_norm = (x - x.min()) / (x.max() - x.min() + 1e-06)
    spike_times = ((1.0 - x_norm) * (T - 1)).astype(jnp.int32)  # [B, D]
    b_indices = jnp.broadcast_to(jnp.arange(B)[:, None], (B, D))
    f_indices = jnp.broadcast_to(jnp.arange(D)[None, :], (B, D))
    spikes = jnp.zeros((B, T, D), dtype=jnp.float32)
    # scatter-overwrite: spikes[b, spike_times[b,f], f] = 1.0
    spikes = spikes.at[b_indices, spike_times, f_indices].set(1.0)
    return spikes

if __name__ == "__main__":
    import jax
    _d = setup_inputs()
    print(jax.jit(kernel)(*tuple(_d.values())))

</pallas_src>

<mosaic_0001>
#map = affine_map<(d0, d1) -> (0, 0)>
#map1 = affine_map<(d0, d1) -> (0, 0, 0)>
module attributes {stable_mosaic.version = 14 : i64} {
  func.func @_sc_spike_body(%arg0: i32, %arg1: i32, %arg2: memref<4096x2048xf32, #tpu.memory_space<hbm>>, %arg3: memref<8x128xf32, #tpu.memory_space<hbm>>, %arg4: memref<8x128xf32, #tpu.memory_space<hbm>>, %arg5: memref<4096x32x2048xf32, #tpu.memory_space<hbm>>, %arg6: memref<8x2048xf32, #tpu.memory_space<vmem>>, %arg7: memref<8x2048xf32, #tpu.memory_space<vmem>>, %arg8: memref<32x1024xf32, #tpu.memory_space<vmem>>, %arg9: memref<32x1024xf32, #tpu.memory_space<vmem>>, %arg10: memref<1024xi32, #tpu.memory_space<vmem>>, %arg11: memref<1024xi32, #tpu.memory_space<vmem>>, %arg12: memref<8x128xf32, #tpu.memory_space<vmem>>, %arg13: memref<8x128xf32, #tpu.memory_space<vmem>>, %arg14: memref<!tpu.dma_semaphore, #tpu.memory_space<semaphore_mem>>, %arg15: memref<!tpu.dma_semaphore, #tpu.memory_space<semaphore_mem>>, %arg16: memref<!tpu.dma_semaphore, #tpu.memory_space<semaphore_mem>>, %arg17: memref<!tpu.dma_semaphore, #tpu.memory_space<semaphore_mem>>) attributes {dimension_semantics = [#tpu.dimension_semantics<core_parallel>, #tpu.dimension_semantics<subcore_parallel>], iteration_bounds = array<i64: 2, 16>, scalar_prefetch = 0 : i64, scratch_operands = 12 : i64, tpu.core_type = #tpu.core_type<sc_vector_subcore>, window_params = [{transform_indices = #map}, {transform_indices = #map}, {transform_indices = #map}, {transform_indices = #map1}]} {
    %mul3A = arith.constant 2 : i32
    %mul3A_0 = arith.muli %arg1, %mul3A : i32
    %add3A = arith.addi %mul3A_0, %arg0 : i32
    %mul3A_1 = arith.constant 128 : i32
    %mul3A_2 = arith.muli %add3A, %mul3A_1 : i32
    "tpu.region"() ({
      %run_scoped3A = tpu.sem_alloc : memref<!tpu.dma_semaphore, #tpu.memory_space<semaphore_mem>>
      tpu.enqueue_dma source(%arg3 : memref<8x128xf32, #tpu.memory_space<hbm>>) target(%arg12 : memref<8x128xf32, #tpu.memory_space<vmem>>) target_semaphore(%run_scoped3A : memref<!tpu.dma_semaphore, #tpu.memory_space<semaphore_mem>>)
      tpu.wait_dma2 semaphore(%run_scoped3A : memref<!tpu.dma_semaphore, #tpu.memory_space<semaphore_mem>>) src(%arg3 : memref<8x128xf32, #tpu.memory_space<hbm>>) dst(%arg12 : memref<8x128xf32, #tpu.memory_space<vmem>>)
      tpu.yield
    }) : () -> ()
    "tpu.region"() ({
      %run_scoped3A = tpu.sem_alloc : memref<!tpu.dma_semaphore, #tpu.memory_space<semaphore_mem>>
      tpu.enqueue_dma source(%arg4 : memref<8x128xf32, #tpu.memory_space<hbm>>) target(%arg13 : memref<8x128xf32, #tpu.memory_space<vmem>>) target_semaphore(%run_scoped3A : memref<!tpu.dma_semaphore, #tpu.memory_space<semaphore_mem>>)
      tpu.wait_dma2 semaphore(%run_scoped3A : memref<!tpu.dma_semaphore, #tpu.memory_space<semaphore_mem>>) src(%arg4 : memref<8x128xf32, #tpu.memory_space<hbm>>) dst(%arg13 : memref<8x128xf32, #tpu.memory_space<vmem>>)
      tpu.yield
    }) : () -> ()
    %get3A = arith.constant 0 : i32
    %get3A_3 = arith.index_cast %get3A : i32 to index
    %get3A_4 = arith.constant 0 : index
    %get3A_5 = tpu.vector_load %arg12[%get3A_3, %get3A_4] {strides = array<i32>} : memref<8x128xf32, #tpu.memory_space<vmem>>, vector<16xf32>,
    %get3A_6 = arith.constant 0 : i32
    %get3A_7 = arith.index_cast %get3A_6 : i32 to index
    %get3A_8 = arith.constant 0 : index
    %get3A_9 = tpu.vector_load %arg13[%get3A_7, %get3A_8] {strides = array<i32>} : memref<8x128xf32, #tpu.memory_space<vmem>>, vector<16xf32>,
    %sub3A = arith.subf %get3A_9, %get3A_5 : vector<16xf32>
    %add3A_10 = arith.constant 9.99999997E-7 : f32
    %add3A_11 = vector.broadcast %add3A_10 : f32 to vector<16xf32>
    %add3A_12 = arith.addf %sub3A, %add3A_11 : vector<16xf32>
    %broadcast_in_dim3A = arith.constant 0.000000e+00 : f32
    %broadcast_in_dim3A_13 = vector.broadcast %broadcast_in_dim3A : f32 to vector<16xf32>
    %broadcast_in_dim3A_14 = arith.constant 0 : i32
    %broadcast_in_dim3A_15 = vector.broadcast %broadcast_in_dim3A_14 : i32 to vector<16xi32>
    %broadcast_in_dim3A_16 = arith.constant 1.000000e+00 : f32
    %broadcast_in_dim3A_17 = vector.broadcast %broadcast_in_dim3A_16 : f32 to vector<16xf32>
    %iota3A = tpu.iota {dimensions = array<i32: 0>} : vector<16xi32>
    %parallel_loop3A = arith.constant 0 : i32
    %parallel_loop3A_18 = arith.constant 2048 : i32
    %parallel_loop3A_19 = arith.constant 1 : i32
    scf.for %parallel_loop3A_79 = %parallel_loop3A to %parallel_loop3A_18 step %parallel_loop3A_19  : i32 {
      %parallel_loop3A_80 = arith.constant 64 : i32
      %parallel_loop3A_81 = arith.divsi %parallel_loop3A_79, %parallel_loop3A_80 : i32
      %parallel_loop3A_82 = arith.constant 0 : i32
      %parallel_loop3A_83 = arith.cmpi sgt, %parallel_loop3A_79, %parallel_loop3A_82 : i32
      %parallel_loop3A_84 = arith.extui %parallel_loop3A_83 : i1 to i32
      %parallel_loop3A_85 = arith.constant 0 : i32
      %parallel_loop3A_86 = arith.cmpi slt, %parallel_loop3A_79, %parallel_loop3A_85 : i32
      %parallel_loop3A_87 = arith.extui %parallel_loop3A_86 : i1 to i32
      %parallel_loop3A_88 = arith.subi %parallel_loop3A_84, %parallel_loop3A_87 : i32
      %parallel_loop3A_89 = arith.constant 0 : i32
      %parallel_loop3A_90 = arith.cmpi sgt, %parallel_loop3A_80, %parallel_loop3A_89 : i32
      %parallel_loop3A_91 = arith.extui %parallel_loop3A_90 : i1 to i32
      %parallel_loop3A_92 = arith.constant 0 : i32
      %parallel_loop3A_93 = arith.cmpi slt, %parallel_loop3A_80, %parallel_loop3A_92 : i32
      %parallel_loop3A_94 = arith.extui %parallel_loop3A_93 : i1 to i32
      %parallel_loop3A_95 = arith.subi %parallel_loop3A_91, %parallel_loop3A_94 : i32
      %parallel_loop3A_96 = arith.cmpi ne, %parallel_loop3A_88, %parallel_loop3A_95 : i32
      %parallel_loop3A_97 = arith.remsi %parallel_loop3A_79, %parallel_loop3A_80 : i32
      %parallel_loop3A_98 = arith.constant 0 : i32
      %parallel_loop3A_99 = arith.cmpi ne, %parallel_loop3A_97, %parallel_loop3A_98 : i32
      %parallel_loop3A_100 = arith.andi %parallel_loop3A_96, %parallel_loop3A_99 : i1
      %parallel_loop3A_101 = arith.constant 1 : i32
      %parallel_loop3A_102 = arith.subi %parallel_loop3A_81, %parallel_loop3A_101 : i32
      %parallel_loop3A_103 = arith.select %parallel_loop3A_100, %parallel_loop3A_102, %parallel_loop3A_81 : i32
      %parallel_loop3A_104 = arith.constant 64 : i32
      %parallel_loop3A_105 = arith.constant 0 : i32
      %parallel_loop3A_106 = arith.cmpi eq, %parallel_loop3A_104, %parallel_loop3A_105 : i32
      %parallel_loop3A_107 = arith.constant 1 : i32
      %parallel_loop3A_108 = arith.select %parallel_loop3A_106, %parallel_loop3A_107, %parallel_loop3A_104 : i32
      %parallel_loop3A_109 = arith.remsi %parallel_loop3A_79, %parallel_loop3A_108 : i32
      %parallel_loop3A_110 = arith.constant 0 : i32
      %parallel_loop3A_111 = arith.cmpi ne, %parallel_loop3A_109, %parallel_loop3A_110 : i32
      %parallel_loop3A_112 = arith.constant 0 : i32
      %parallel_loop3A_113 = arith.cmpi slt, %parallel_loop3A_109, %parallel_loop3A_112 : i32
      %parallel_loop3A_114 = arith.constant 0 : i32
      %parallel_loop3A_115 = arith.cmpi slt, %parallel_loop3A_108, %parallel_loop3A_114 : i32
      %parallel_loop3A_116 = arith.xori %parallel_loop3A_113, %parallel_loop3A_115 : i1
      %parallel_loop3A_117 = arith.andi %parallel_loop3A_116, %parallel_loop3A_111 : i1
      %parallel_loop3A_118 = arith.addi %parallel_loop3A_109, %parallel_loop3A_108 : i32
      %parallel_loop3A_119 = arith.select %parallel_loop3A_117, %parallel_loop3A_118, %parallel_loop3A_109 : i32
      %parallel_loop3A_120 = arith.constant 16 : i32
      %parallel_loop3A_121 = arith.muli %parallel_loop3A_119, %parallel_loop3A_120 : i32
      %parallel_loop3A_122 = arith.index_cast %parallel_loop3A_103 : i32 to index
      %parallel_loop3A_123 = arith.index_cast %parallel_loop3A_121 : i32 to index
      %parallel_loop3A_124 = tpu.vector_load %arg8[%parallel_loop3A_122, %parallel_loop3A_123] {strides = array<i32>} : memref<32x1024xf32, #tpu.memory_space<vmem>>, vector<16xf32>,
      tpu.vector_store %arg8[%parallel_loop3A_122, %parallel_loop3A_123], %broadcast_in_dim3A_13 {strides = array<i32>} : memref<32x1024xf32, #tpu.memory_space<vmem>>, vector<16xf32>,
      %parallel_loop3A_125 = arith.index_cast %parallel_loop3A_103 : i32 to index
      %parallel_loop3A_126 = arith.index_cast %parallel_loop3A_121 : i32 to index
      %parallel_loop3A_127 = tpu.vector_load %arg9[%parallel_loop3A_125, %parallel_loop3A_126] {strides = array<i32>} : memref<32x1024xf32, #tpu.memory_space<vmem>>, vector<16xf32>,
      tpu.vector_store %arg9[%parallel_loop3A_125, %parallel_loop3A_126], %broadcast_in_dim3A_13 {strides = array<i32>} : memref<32x1024xf32, #tpu.memory_space<vmem>>, vector<16xf32>,
    } {sc.loop_unroll_factor = 4 : i64, sc.parallel_access}
    %parallel_loop3A_20 = arith.constant 0 : i32
    %parallel_loop3A_21 = arith.constant 64 : i32
    %parallel_loop3A_22 = arith.constant 1 : i32
    scf.for %parallel_loop3A_79 = %parallel_loop3A_20 to %parallel_loop3A_21 step %parallel_loop3A_22  : i32 {
      %parallel_loop3A_80 = arith.constant 16 : i32
      %parallel_loop3A_81 = arith.muli %parallel_loop3A_79, %parallel_loop3A_80 : i32
      %parallel_loop3A_82 = arith.index_cast %parallel_loop3A_81 : i32 to index
      %parallel_loop3A_83 = tpu.vector_load %arg10[%parallel_loop3A_82] {strides = array<i32>} : memref<1024xi32, #tpu.memory_space<vmem>>, vector<16xi32>,
      tpu.vector_store %arg10[%parallel_loop3A_82], %broadcast_in_dim3A_15 {strides = array<i32>} : memref<1024xi32, #tpu.memory_space<vmem>>, vector<16xi32>,
      %parallel_loop3A_84 = arith.constant 16 : i32
      %parallel_loop3A_85 = arith.muli %parallel_loop3A_79, %parallel_loop3A_84 : i32
      %parallel_loop3A_86 = arith.index_cast %parallel_loop3A_85 : i32 to index
      %parallel_loop3A_87 = tpu.vector_load %arg11[%parallel_loop3A_86] {strides = array<i32>} : memref<1024xi32, #tpu.memory_space<vmem>>, vector<16xi32>,
      tpu.vector_store %arg11[%parallel_loop3A_86], %broadcast_in_dim3A_15 {strides = array<i32>} : memref<1024xi32, #tpu.memory_space<vmem>>, vector<16xi32>,
    } {sc.loop_unroll_factor = 4 : i64, sc.parallel_access}
    %multiple_of3A = arith.constant 0 : i32
    %multiple_of3A_23 = tpu.assume_multiple %multiple_of3A, 1024 : i32
    %add3A_24 = arith.constant 0 : i32
    %add3A_25 = arith.addi %mul3A_2, %add3A_24 : i32
    %dma_start3A = arith.constant 0 : i32
    %dma_start3A_26 = tpu.memref_slice %arg5[%add3A_25, %dma_start3A, %multiple_of3A_23] : memref<4096x32x2048xf32, #tpu.memory_space<hbm>> -> memref<1x32x1024xf32, #tpu.memory_space<hbm>>
    %dma_start3A_27 = tpu.memref_squeeze %dma_start3A_26 : memref<1x32x1024xf32, #tpu.memory_space<hbm>> -> memref<32x1024xf32, #tpu.memory_space<hbm>>
    %dma_start3A_28 = arith.constant 0 : i32
    %dma_start3A_29 = tpu.memref_slice %arg5[%add3A_25, %dma_start3A_28, %multiple_of3A_23] : memref<4096x32x2048xf32, #tpu.memory_space<hbm>> -> memref<1x32x1024xf32, #tpu.memory_space<hbm>>
    %dma_start3A_30 = tpu.memref_squeeze %dma_start3A_29 : memref<1x32x1024xf32, #tpu.memory_space<hbm>> -> memref<32x1024xf32, #tpu.memory_space<hbm>>
    tpu.enqueue_dma source(%arg8 : memref<32x1024xf32, #tpu.memory_space<vmem>>) target(%dma_start3A_30 : memref<32x1024xf32, #tpu.memory_space<hbm>>) target_semaphore(%arg14 : memref<!tpu.dma_semaphore, #tpu.memory_space<semaphore_mem>>)
    %multiple_of3A_31 = arith.constant 1024 : i32
    %multiple_of3A_32 = tpu.assume_multiple %multiple_of3A_31, 1024 : i32
    %add3A_33 = arith.constant 0 : i32
    %add3A_34 = arith.addi %mul3A_2, %add3A_33 : i32
    %dma_start3A_35 = arith.constant 0 : i32
    %dma_start3A_36 = tpu.memref_slice %arg5[%add3A_34, %dma_start3A_35, %multiple_of3A_32] : memref<4096x32x2048xf32, #tpu.memory_space<hbm>> -> memref<1x32x1024xf32, #tpu.memory_space<hbm>>
    %dma_start3A_37 = tpu.memref_squeeze %dma_start3A_36 : memref<1x32x1024xf32, #tpu.memory_space<hbm>> -> memref<32x1024xf32, #tpu.memory_space<hbm>>
    %dma_start3A_38 = arith.constant 0 : i32
    %dma_start3A_39 = tpu.memref_slice %arg5[%add3A_34, %dma_start3A_38, %multiple_of3A_32] : memref<4096x32x2048xf32, #tpu.memory_space<hbm>> -> memref<1x32x1024xf32, #tpu.memory_space<hbm>>
    %dma_start3A_40 = tpu.memref_squeeze %dma_start3A_39 : memref<1x32x1024xf32, #tpu.memory_space<hbm>> -> memref<32x1024xf32, #tpu.memory_space<hbm>>
    tpu.enqueue_dma source(%arg9 : memref<32x1024xf32, #tpu.memory_space<vmem>>) target(%dma_start3A_40 : memref<32x1024xf32, #tpu.memory_space<hbm>>) target_semaphore(%arg15 : memref<!tpu.dma_semaphore, #tpu.memory_space<semaphore_mem>>)
    %add3A_41 = arith.constant 0 : i32
    %add3A_42 = arith.addi %mul3A_2, %add3A_41 : i32
    %multiple_of3A_43 = tpu.assume_multiple %add3A_42, 8 : i32
    %dma_start3A_44 = arith.constant 0 : i32
    %dma_start3A_45 = tpu.memref_slice %arg2[%multiple_of3A_43, %dma_start3A_44] : memref<4096x2048xf32, #tpu.memory_space<hbm>> -> memref<8x2048xf32, #tpu.memory_space<hbm>>
    %dma_start3A_46 = arith.constant 0 : i32
    %dma_start3A_47 = tpu.memref_slice %arg2[%multiple_of3A_43, %dma_start3A_46] : memref<4096x2048xf32, #tpu.memory_space<hbm>> -> memref<8x2048xf32, #tpu.memory_space<hbm>>
    tpu.enqueue_dma source(%dma_start3A_47 : memref<8x2048xf32, #tpu.memory_space<hbm>>) target(%arg6 : memref<8x2048xf32, #tpu.memory_space<vmem>>) target_semaphore(%arg16 : memref<!tpu.dma_semaphore, #tpu.memory_space<semaphore_mem>>)
    %add3A_48 = arith.constant 8 : i32
    %add3A_49 = arith.addi %mul3A_2, %add3A_48 : i32
    %multiple_of3A_50 = tpu.assume_multiple %add3A_49, 8 : i32
    %dma_start3A_51 = arith.constant 0 : i32
    %dma_start3A_52 = tpu.memref_slice %arg2[%multiple_of3A_50, %dma_start3A_51] : memref<4096x2048xf32, #tpu.memory_space<hbm>> -> memref<8x2048xf32, #tpu.memory_space<hbm>>
    %dma_start3A_53 = arith.constant 0 : i32
    %dma_start3A_54 = tpu.memref_slice %arg2[%multiple_of3A_50, %dma_start3A_53] : memref<4096x2048xf32, #tpu.memory_space<hbm>> -> memref<8x2048xf32, #tpu.memory_space<hbm>>
    tpu.enqueue_dma source(%dma_start3A_54 : memref<8x2048xf32, #tpu.memory_space<hbm>>) target(%arg7 : memref<8x2048xf32, #tpu.memory_space<vmem>>) target_semaphore(%arg17 : memref<!tpu.dma_semaphore, #tpu.memory_space<semaphore_mem>>)
    %scan3A = arith.constant 0 : i32
    %scan3A_55 = arith.constant 0 : i32
    %scan3A_56 = arith.constant 8 : i32
    %scan3A_57 = arith.addi %scan3A_55, %scan3A_56 : i32
    %scan3A_58 = arith.constant 1 : i32
    scf.for %scan3A_79 = %scan3A_55 to %scan3A_57 step %scan3A_58  : i32 {
      %mul3A_80 = arith.constant 2 : i32
      %mul3A_81 = arith.muli %scan3A_79, %mul3A_80 : i32
      %mul3A_82 = arith.constant 8 : i32
      %mul3A_83 = arith.muli %mul3A_81, %mul3A_82 : i32
      %add3A_84 = arith.addi %mul3A_2, %mul3A_83 : i32
      %multiple_of3A_85 = tpu.assume_multiple %add3A_84, 8 : i32
      %dma_wait3A_86 = arith.constant 0 : i32
      %dma_wait3A_87 = tpu.memref_slice %arg2[%multiple_of3A_85, %dma_wait3A_86] : memref<4096x2048xf32, #tpu.memory_space<hbm>> -> memref<8x2048xf32, #tpu.memory_space<hbm>>
      %dma_wait3A_88 = arith.constant 0 : i32
      %dma_wait3A_89 = tpu.memref_slice %arg2[%multiple_of3A_85, %dma_wait3A_88] : memref<4096x2048xf32, #tpu.memory_space<hbm>> -> memref<8x2048xf32, #tpu.memory_space<hbm>>
      tpu.wait_dma2 semaphore(%arg16 : memref<!tpu.dma_semaphore, #tpu.memory_space<semaphore_mem>>) src(%dma_wait3A_89 : memref<8x2048xf32, #tpu.memory_space<hbm>>) dst(%arg6 : memref<8x2048xf32, #tpu.memory_space<vmem>>)
      %scan3A_90 = arith.constant 0 : i32
      %scan3A_91 = arith.constant 0 : i32
      %scan3A_92 = arith.constant 8 : i32
      %scan3A_93 = arith.addi %scan3A_91, %scan3A_92 : i32
      %scan3A_94 = arith.constant 1 : i32
      scf.for %scan3A_121 = %scan3A_91 to %scan3A_93 step %scan3A_94  : i32 {
        %mul3A_122 = arith.constant 16 : i32
        %mul3A_123 = arith.muli %mul3A_81, %mul3A_122 : i32
        %mul3A_124 = arith.constant 2 : i32
        %mul3A_125 = arith.muli %scan3A_121, %mul3A_124 : i32
        %add3A_126 = arith.addi %mul3A_123, %mul3A_125 : i32
        %add3A_127 = arith.constant 0 : i32
        %add3A_128 = arith.addi %add3A_126, %add3A_127 : i32
        %jit3A = arith.constant 2 : i32
        %div3A = arith.divsi %add3A_128, %jit3A : i32
        %sign3A = arith.constant 0 : i32
        %sign3A_129 = arith.cmpi sgt, %add3A_128, %sign3A : i32
        %sign3A_130 = arith.extui %sign3A_129 : i1 to i32
        %sign3A_131 = arith.constant 0 : i32
        %sign3A_132 = arith.cmpi slt, %add3A_128, %sign3A_131 : i32
        %sign3A_133 = arith.extui %sign3A_132 : i1 to i32
        %sign3A_134 = arith.subi %sign3A_130, %sign3A_133 : i32
        %sign3A_135 = arith.constant 0 : i32
        %sign3A_136 = arith.cmpi sgt, %jit3A, %sign3A_135 : i32
        %sign3A_137 = arith.extui %sign3A_136 : i1 to i32
        %sign3A_138 = arith.constant 0 : i32
        %sign3A_139 = arith.cmpi slt, %jit3A, %sign3A_138 : i32
        %sign3A_140 = arith.extui %sign3A_139 : i1 to i32
        %sign3A_141 = arith.subi %sign3A_137, %sign3A_140 : i32
        %ne3A = arith.cmpi ne, %sign3A_134, %sign3A_141 : i32
        %rem3A = arith.remsi %add3A_128, %jit3A : i32
        %ne3A_142 = arith.constant 0 : i32
        %ne3A_143 = arith.cmpi ne, %rem3A, %ne3A_142 : i32
        %and3A = arith.andi %ne3A, %ne3A_143 : i1
        %sub3A_144 = arith.constant 1 : i32
        %sub3A_145 = arith.subi %div3A, %sub3A_144 : i32
        %select_n3A = arith.select %and3A, %sub3A_145, %div3A : i32
        %jit3A_146 = arith.constant 2 : i32
        %eq3A = arith.constant 0 : i32
        %eq3A_147 = arith.cmpi eq, %jit3A_146, %eq3A : i32
        %jit3A_148 = arith.constant 1 : i32
        %select_n3A_149 = arith.select %eq3A_147, %jit3A_148, %jit3A_146 : i32
        %rem3A_150 = arith.remsi %add3A_128, %select_n3A_149 : i32
        %ne3A_151 = arith.constant 0 : i32
        %ne3A_152 = arith.cmpi ne, %rem3A_150, %ne3A_151 : i32
        %lt3A_153 = arith.constant 0 : i32
        %lt3A_154 = arith.cmpi slt, %rem3A_150, %lt3A_153 : i32
        %lt3A_155 = arith.constant 0 : i32
        %lt3A_156 = arith.cmpi slt, %select_n3A_149, %lt3A_155 : i32
        %ne3A_157 = arith.xori %lt3A_154, %lt3A_156 : i1
        %and3A_158 = arith.andi %ne3A_157, %ne3A_152 : i1
        %add3A_159 = arith.addi %rem3A_150, %select_n3A_149 : i32
        %select_n3A_160 = arith.select %and3A_158, %add3A_159, %rem3A_150 : i32
        %mul3A_161 = arith.constant 1024 : i32
        %mul3A_162 = arith.muli %select_n3A_160, %mul3A_161 : i32
        %multiple_of3A_163 = tpu.assume_multiple %mul3A_162, 1024 : i32
        %add3A_164 = arith.addi %mul3A_2, %select_n3A : i32
        %dma_wait3A_165 = arith.constant 0 : i32
        %dma_wait3A_166 = tpu.memref_slice %arg5[%add3A_164, %dma_wait3A_165, %multiple_of3A_163] : memref<4096x32x2048xf32, #tpu.memory_space<hbm>> -> memref<1x32x1024xf32, #tpu.memory_space<hbm>>
        %dma_wait3A_167 = tpu.memref_squeeze %dma_wait3A_166 : memref<1x32x1024xf32, #tpu.memory_space<hbm>> -> memref<32x1024xf32, #tpu.memory_space<hbm>>
        %dma_wait3A_168 = arith.constant 0 : i32
        %dma_wait3A_169 = tpu.memref_slice %arg5[%add3A_164, %dma_wait3A_168, %multiple_of3A_163] : memref<4096x32x2048xf32, #tpu.memory_space<hbm>> -> memref<1x32x1024xf32, #tpu.memory_space<hbm>>
        %dma_wait3A_170 = tpu.memref_squeeze %dma_wait3A_169 : memref<1x32x1024xf32, #tpu.memory_space<hbm>> -> memref<32x1024xf32, #tpu.memory_space<hbm>>
        tpu.wait_dma2 semaphore(%arg14 : memref<!tpu.dma_semaphore, #tpu.memory_space<semaphore_mem>>) src(%arg8 : memref<32x1024xf32, #tpu.memory_space<vmem>>) dst(%dma_wait3A_170 : memref<32x1024xf32, #tpu.memory_space<hbm>>)
        %parallel_loop3A_171 = arith.constant 0 : i32
        %parallel_loop3A_172 = arith.constant 64 : i32
        %parallel_loop3A_173 = arith.constant 1 : i32
        scf.for %parallel_loop3A_340 = %parallel_loop3A_171 to %parallel_loop3A_172 step %parallel_loop3A_173  : i32 {
          %parallel_loop3A_341 = arith.constant 16 : i32
          %parallel_loop3A_342 = arith.muli %parallel_loop3A_340, %parallel_loop3A_341 : i32
          %parallel_loop3A_343 = arith.index_cast %parallel_loop3A_342 : i32 to index
          %parallel_loop3A_344 = tpu.vector_load %arg10[%parallel_loop3A_343] {strides = array<i32>} : memref<1024xi32, #tpu.memory_space<vmem>>, vector<16xi32>,
          %parallel_loop3A_345 = arith.constant 16 : i32
          %parallel_loop3A_346 = arith.muli %parallel_loop3A_340, %parallel_loop3A_345 : i32
          %parallel_loop3A_347 = vector.broadcast %parallel_loop3A_346 : i32 to vector<16xi32>
          %parallel_loop3A_348 = arith.addi %iota3A, %parallel_loop3A_347 : vector<16xi32>
          tpu.vector_store_idx %arg8[%parallel_loop3A_344, %parallel_loop3A_348], %broadcast_in_dim3A_13 : memref<32x1024xf32, #tpu.memory_space<vmem>>[vector<16xi32>, vector<16xi32>], vector<16xf32>,
        } {sc.loop_unroll_factor = 8 : i64, sc.parallel_access}
        %parallel_loop3A_174 = arith.constant 0 : i32
        %parallel_loop3A_175 = arith.constant 64 : i32
        %parallel_loop3A_176 = arith.constant 1 : i32
        scf.for %parallel_loop3A_340 = %parallel_loop3A_174 to %parallel_loop3A_175 step %parallel_loop3A_176  : i32 {
          %parallel_loop3A_341 = arith.constant 16 : i32
          %parallel_loop3A_342 = arith.muli %parallel_loop3A_340, %parallel_loop3A_341 : i32
          %parallel_loop3A_343 = arith.constant 0 : i32
          %parallel_loop3A_344 = arith.addi %parallel_loop3A_343, %parallel_loop3A_342 : i32
          %parallel_loop3A_345 = arith.index_cast %scan3A_121 : i32 to index
          %parallel_loop3A_346 = arith.index_cast %parallel_loop3A_344 : i32 to index
          %parallel_loop3A_347 = tpu.vector_load %arg6[%parallel_loop3A_345, %parallel_loop3A_346] {strides = array<i32>} : memref<8x2048xf32, #tpu.memory_space<vmem>>, vector<16xf32>,
          %parallel_loop3A_348 = arith.subf %parallel_loop3A_347, %get3A_5 : vector<16xf32>
          %parallel_loop3A_349 = arith.divf %parallel_loop3A_348, %add3A_12 : vector<16xf32>
          %parallel_loop3A_350 = arith.constant 1.000000e+00 : f32
          %parallel_loop3A_351 = vector.broadcast %parallel_loop3A_350 : f32 to vector<16xf32>
          %parallel_loop3A_352 = arith.subf %parallel_loop3A_351, %parallel_loop3A_349 : vector<16xf32>
          %parallel_loop3A_353 = arith.constant 3.100000e+01 : f32
          %parallel_loop3A_354 = vector.broadcast %parallel_loop3A_353 : f32 to vector<16xf32>
          %parallel_loop3A_355 = arith.mulf %parallel_loop3A_352, %parallel_loop3A_354 : vector<16xf32>
          %parallel_loop3A_356 = arith.fptosi %parallel_loop3A_355 : vector<16xf32> to vector<16xi32>
          %parallel_loop3A_357 = arith.constant 16 : i32
          %parallel_loop3A_358 = arith.muli %parallel_loop3A_340, %parallel_loop3A_357 : i32
          %parallel_loop3A_359 = vector.broadcast %parallel_loop3A_358 : i32 to vector<16xi32>
          %parallel_loop3A_360 = arith.addi %iota3A, %parallel_loop3A_359 : vector<16xi32>
          tpu.vector_store_idx %arg8[%parallel_loop3A_356, %parallel_loop3A_360], %broadcast_in_dim3A_17 : memref<32x1024xf32, #tpu.memory_space<vmem>>[vector<16xi32>, vector<16xi32>], vector<16xf32>,
          %parallel_loop3A_361 = arith.constant 16 : i32
          %parallel_loop3A_362 = arith.muli %parallel_loop3A_340, %parallel_loop3A_361 : i32
          %parallel_loop3A_363 = arith.index_cast %parallel_loop3A_362 : i32 to index
          %parallel_loop3A_364 = tpu.vector_load %arg10[%parallel_loop3A_363] {strides = array<i32>} : memref<1024xi32, #tpu.memory_space<vmem>>, vector<16xi32>,
          tpu.vector_store %arg10[%parallel_loop3A_363], %parallel_loop3A_356 {strides = array<i32>} : memref<1024xi32, #tpu.memory_space<vmem>>, vector<16xi32>,
        } {sc.loop_unroll_factor = 8 : i64, sc.parallel_access}
        %jit3A_177 = arith.constant 2 : i32
        %div3A_178 = arith.divsi %add3A_128, %jit3A_177 : i32
        %sign3A_179 = arith.constant 0 : i32
        %sign3A_180 = arith.cmpi sgt, %add3A_128, %sign3A_179 : i32
        %sign3A_181 = arith.extui %sign3A_180 : i1 to i32
        %sign3A_182 = arith.constant 0 : i32
        %sign3A_183 = arith.cmpi slt, %add3A_128, %sign3A_182 : i32
        %sign3A_184 = arith.extui %sign3A_183 : i1 to i32
        %sign3A_185 = arith.subi %sign3A_181, %sign3A_184 : i32
        %sign3A_186 = arith.constant 0 : i32
        %sign3A_187 = arith.cmpi sgt, %jit3A_177, %sign3A_186 : i32
        %sign3A_188 = arith.extui %sign3A_187 : i1 to i32
        %sign3A_189 = arith.constant 0 : i32
        %sign3A_190 = arith.cmpi slt, %jit3A_177, %sign3A_189 : i32
        %sign3A_191 = arith.extui %sign3A_190 : i1 to i32
        %sign3A_192 = arith.subi %sign3A_188, %sign3A_191 : i32
        %ne3A_193 = arith.cmpi ne, %sign3A_185, %sign3A_192 : i32
        %rem3A_194 = arith.remsi %add3A_128, %jit3A_177 : i32
        %ne3A_195 = arith.constant 0 : i32
        %ne3A_196 = arith.cmpi ne, %rem3A_194, %ne3A_195 : i32
        %and3A_197 = arith.andi %ne3A_193, %ne3A_196 : i1
        %sub3A_198 = arith.constant 1 : i32
        %sub3A_199 = arith.subi %div3A_178, %sub3A_198 : i32
        %select_n3A_200 = arith.select %and3A_197, %sub3A_199, %div3A_178 : i32
        %jit3A_201 = arith.constant 2 : i32
        %eq3A_202 = arith.constant 0 : i32
        %eq3A_203 = arith.cmpi eq, %jit3A_201, %eq3A_202 : i32
        %jit3A_204 = arith.constant 1 : i32
        %select_n3A_205 = arith.select %eq3A_203, %jit3A_204, %jit3A_201 : i32
        %rem3A_206 = arith.remsi %add3A_128, %select_n3A_205 : i32
        %ne3A_207 = arith.constant 0 : i32
        %ne3A_208 = arith.cmpi ne, %rem3A_206, %ne3A_207 : i32
        %lt3A_209 = arith.constant 0 : i32
        %lt3A_210 = arith.cmpi slt, %rem3A_206, %lt3A_209 : i32
        %lt3A_211 = arith.constant 0 : i32
        %lt3A_212 = arith.cmpi slt, %select_n3A_205, %lt3A_211 : i32
        %ne3A_213 = arith.xori %lt3A_210, %lt3A_212 : i1
        %and3A_214 = arith.andi %ne3A_213, %ne3A_208 : i1
        %add3A_215 = arith.addi %rem3A_206, %select_n3A_205 : i32
        %select_n3A_216 = arith.select %and3A_214, %add3A_215, %rem3A_206 : i32
        %mul3A_217 = arith.constant 1024 : i32
        %mul3A_218 = arith.muli %select_n3A_216, %mul3A_217 : i32
        %multiple_of3A_219 = tpu.assume_multiple %mul3A_218, 1024 : i32
        %add3A_220 = arith.addi %mul3A_2, %select_n3A_200 : i32
        %dma_start3A_221 = arith.constant 0 : i32
        %dma_start3A_222 = tpu.memref_slice %arg5[%add3A_220, %dma_start3A_221, %multiple_of3A_219] : memref<4096x32x2048xf32, #tpu.memory_space<hbm>> -> memref<1x32x1024xf32, #tpu.memory_space<hbm>>
        %dma_start3A_223 = tpu.memref_squeeze %dma_start3A_222 : memref<1x32x1024xf32, #tpu.memory_space<hbm>> -> memref<32x1024xf32, #tpu.memory_space<hbm>>
        %dma_start3A_224 = arith.constant 0 : i32
        %dma_start3A_225 = tpu.memref_slice %arg5[%add3A_220, %dma_start3A_224, %multiple_of3A_219] : memref<4096x32x2048xf32, #tpu.memory_space<hbm>> -> memref<1x32x1024xf32, #tpu.memory_space<hbm>>
        %dma_start3A_226 = tpu.memref_squeeze %dma_start3A_225 : memref<1x32x1024xf32, #tpu.memory_space<hbm>> -> memref<32x1024xf32, #tpu.memory_space<hbm>>
        tpu.enqueue_dma source(%arg8 : memref<32x1024xf32, #tpu.memory_space<vmem>>) target(%dma_start3A_226 : memref<32x1024xf32, #tpu.memory_space<hbm>>) target_semaphore(%arg14 : memref<!tpu.dma_semaphore, #tpu.memory_space<semaphore_mem>>)
        %mul3A_227 = arith.constant 16 : i32
        %mul3A_228 = arith.muli %mul3A_81, %mul3A_227 : i32
        %mul3A_229 = arith.constant 2 : i32
        %mul3A_230 = arith.muli %scan3A_121, %mul3A_229 : i32
        %add3A_231 = arith.addi %mul3A_228, %mul3A_230 : i32
        %add3A_232 = arith.constant 1 : i32
        %add3A_233 = arith.addi %add3A_231, %add3A_232 : i32
        %jit3A_234 = arith.constant 2 : i32
        %div3A_235 = arith.divsi %add3A_233, %jit3A_234 : i32
        %sign3A_236 = arith.constant 0 : i32
        %sign3A_237 = arith.cmpi sgt, %add3A_233, %sign3A_236 : i32
        %sign3A_238 = arith.extui %sign3A_237 : i1 to i32
        %sign3A_239 = arith.constant 0 : i32
        %sign3A_240 = arith.cmpi slt, %add3A_233, %sign3A_239 : i32
        %sign3A_241 = arith.extui %sign3A_240 : i1 to i32
        %sign3A_242 = arith.subi %sign3A_238, %sign3A_241 : i32
        %sign3A_243 = arith.constant 0 : i32
        %sign3A_244 = arith.cmpi sgt, %jit3A_234, %sign3A_243 : i32
        %sign3A_245 = arith.extui %sign3A_244 : i1 to i32
        %sign3A_246 = arith.constant 0 : i32
        %sign3A_247 = arith.cmpi slt, %jit3A_234, %sign3A_246 : i32
        %sign3A_248 = arith.extui %sign3A_247 : i1 to i32
        %sign3A_249 = arith.subi %sign3A_245, %sign3A_248 : i32
        %ne3A_250 = arith.cmpi ne, %sign3A_242, %sign3A_249 : i32
        %rem3A_251 = arith.remsi %add3A_233, %jit3A_234 : i32
        %ne3A_252 = arith.constant 0 : i32
        %ne3A_253 = arith.cmpi ne, %rem3A_251, %ne3A_252 : i32
        %and3A_254 = arith.andi %ne3A_250, %ne3A_253 : i1
        %sub3A_255 = arith.constant 1 : i32
        %sub3A_256 = arith.subi %div3A_235, %sub3A_255 : i32
        %select_n3A_257 = arith.select %and3A_254, %sub3A_256, %div3A_235 : i32
        %jit3A_258 = arith.constant 2 : i32
        %eq3A_259 = arith.constant 0 : i32
        %eq3A_260 = arith.cmpi eq, %jit3A_258, %eq3A_259 : i32
        %jit3A_261 = arith.constant 1 : i32
        %select_n3A_262 = arith.select %eq3A_260, %jit3A_261, %jit3A_258 : i32
        %rem3A_263 = arith.remsi %add3A_233, %select_n3A_262 : i32
        %ne3A_264 = arith.constant 0 : i32
        %ne3A_265 = arith.cmpi ne, %rem3A_263, %ne3A_264 : i32
        %lt3A_266 = arith.constant 0 : i32
        %lt3A_267 = arith.cmpi slt, %rem3A_263, %lt3A_266 : i32
        %lt3A_268 = arith.constant 0 : i32
        %lt3A_269 = arith.cmpi slt, %select_n3A_262, %lt3A_268 : i32
        %ne3A_270 = arith.xori %lt3A_267, %lt3A_269 : i1
        %and3A_271 = arith.andi %ne3A_270, %ne3A_265 : i1
        %add3A_272 = arith.addi %rem3A_263, %select_n3A_262 : i32
        %select_n3A_273 = arith.select %and3A_271, %add3A_272, %rem3A_263 : i32
        %mul3A_274 = arith.constant 1024 : i32
        %mul3A_275 = arith.muli %select_n3A_273, %mul3A_274 : i32
        %multiple_of3A_276 = tpu.assume_multiple %mul3A_275, 1024 : i32
        %add3A_277 = arith.addi %mul3A_2, %select_n3A_257 : i32
        %dma_wait3A_278 = arith.constant 0 : i32
        %dma_wait3A_279 = tpu.memref_slice %arg5[%add3A_277, %dma_wait3A_278, %multiple_of3A_276] : memref<4096x32x2048xf32, #tpu.memory_space<hbm>> -> memref<1x32x1024xf32, #tpu.memory_space<hbm>>
        %dma_wait3A_280 = tpu.memref_squeeze %dma_wait3A_279 : memref<1x32x1024xf32, #tpu.memory_space<hbm>> -> memref<32x1024xf32, #tpu.memory_space<hbm>>
        %dma_wait3A_281 = arith.constant 0 : i32
        %dma_wait3A_282 = tpu.memref_slice %arg5[%add3A_277, %dma_wait3A_281, %multiple_of3A_276] : memref<4096x32x2048xf32, #tpu.memory_space<hbm>> -> memref<1x32x1024xf32, #tpu.memory_space<hbm>>
        %dma_wait3A_283 = tpu.memref_squeeze %dma_wait3A_282 : memref<1x32x1024xf32, #tpu.memory_space<hbm>> -> memref<32x1024xf32, #tpu.memory_space<hbm>>
        tpu.wait_dma2 semaphore(%arg15 : memref<!tpu.dma_semaphore, #tpu.memory_space<semaphore_mem>>) src(%arg9 : memref<32x1024xf32, #tpu.memory_space<vmem>>) dst(%dma_wait3A_283 : memref<32x1024xf32, #tpu.memory_space<hbm>>)
        %parallel_loop3A_284 = arith.constant 0 : i32
        %parallel_loop3A_285 = arith.constant 64 : i32
        %parallel_loop3A_286 = arith.constant 1 : i32
        scf.for %parallel_loop3A_340 = %parallel_loop3A_284 to %parallel_loop3A_285 step %parallel_loop3A_286  : i32 {
          %parallel_loop3A_341 = arith.constant 16 : i32
          %parallel_loop3A_342 = arith.muli %parallel_loop3A_340, %parallel_loop3A_341 : i32
          %parallel_loop3A_343 = arith.index_cast %parallel_loop3A_342 : i32 to index
          %parallel_loop3A_344 = tpu.vector_load %arg11[%parallel_loop3A_343] {strides = array<i32>} : memref<1024xi32, #tpu.memory_space<vmem>>, vector<16xi32>,
          %parallel_loop3A_345 = arith.constant 16 : i32
          %parallel_loop3A_346 = arith.muli %parallel_loop3A_340, %parallel_loop3A_345 : i32
          %parallel_loop3A_347 = vector.broadcast %parallel_loop3A_346 : i32 to vector<16xi32>
          %parallel_loop3A_348 = arith.addi %iota3A, %parallel_loop3A_347 : vector<16xi32>
          tpu.vector_store_idx %arg9[%parallel_loop3A_344, %parallel_loop3A_348], %broadcast_in_dim3A_13 : memref<32x1024xf32, #tpu.memory_space<vmem>>[vector<16xi32>, vector<16xi32>], vector<16xf32>,
        } {sc.loop_unroll_factor = 8 : i64, sc.parallel_access}
        %parallel_loop3A_287 = arith.constant 0 : i32
        %parallel_loop3A_288 = arith.constant 64 : i32
        %parallel_loop3A_289 = arith.constant 1 : i32
        scf.for %parallel_loop3A_340 = %parallel_loop3A_287 to %parallel_loop3A_288 step %parallel_loop3A_289  : i32 {
          %parallel_loop3A_341 = arith.constant 16 : i32
          %parallel_loop3A_342 = arith.muli %parallel_loop3A_340, %parallel_loop3A_341 : i32
          %parallel_loop3A_343 = arith.constant 1024 : i32
          %parallel_loop3A_344 = arith.addi %parallel_loop3A_343, %parallel_loop3A_342 : i32
          %parallel_loop3A_345 = arith.index_cast %scan3A_121 : i32 to index
          %parallel_loop3A_346 = arith.index_cast %parallel_loop3A_344 : i32 to index
          %parallel_loop3A_347 = tpu.vector_load %arg6[%parallel_loop3A_345, %parallel_loop3A_346] {strides = array<i32>} : memref<8x2048xf32, #tpu.memory_space<vmem>>, vector<16xf32>,
          %parallel_loop3A_348 = arith.subf %parallel_loop3A_347, %get3A_5 : vector<16xf32>
          %parallel_loop3A_349 = arith.divf %parallel_loop3A_348, %add3A_12 : vector<16xf32>
          %parallel_loop3A_350 = arith.constant 1.000000e+00 : f32
          %parallel_loop3A_351 = vector.broadcast %parallel_loop3A_350 : f32 to vector<16xf32>
          %parallel_loop3A_352 = arith.subf %parallel_loop3A_351, %parallel_loop3A_349 : vector<16xf32>
          %parallel_loop3A_353 = arith.constant 3.100000e+01 : f32
          %parallel_loop3A_354 = vector.broadcast %parallel_loop3A_353 : f32 to vector<16xf32>
          %parallel_loop3A_355 = arith.mulf %parallel_loop3A_352, %parallel_loop3A_354 : vector<16xf32>
          %parallel_loop3A_356 = arith.fptosi %parallel_loop3A_355 : vector<16xf32> to vector<16xi32>
          %parallel_loop3A_357 = arith.constant 16 : i32
          %parallel_loop3A_358 = arith.muli %parallel_loop3A_340, %parallel_loop3A_357 : i32
          %parallel_loop3A_359 = vector.broadcast %parallel_loop3A_358 : i32 to vector<16xi32>
          %parallel_loop3A_360 = arith.addi %iota3A, %parallel_loop3A_359 : vector<16xi32>
          tpu.vector_store_idx %arg9[%parallel_loop3A_356, %parallel_loop3A_360], %broadcast_in_dim3A_17 : memref<32x1024xf32, #tpu.memory_space<vmem>>[vector<16xi32>, vector<16xi32>], vector<16xf32>,
          %parallel_loop3A_361 = arith.constant 16 : i32
          %parallel_loop3A_362 = arith.muli %parallel_loop3A_340, %parallel_loop3A_361 : i32
          %parallel_loop3A_363 = arith.index_cast %parallel_loop3A_362 : i32 to index
          %parallel_loop3A_364 = tpu.vector_load %arg11[%parallel_loop3A_363] {strides = array<i32>} : memref<1024xi32, #tpu.memory_space<vmem>>, vector<16xi32>,
          tpu.vector_store %arg11[%parallel_loop3A_363], %parallel_loop3A_356 {strides = array<i32>} : memref<1024xi32, #tpu.memory_space<vmem>>, vector<16xi32>,
        } {sc.loop_unroll_factor = 8 : i64, sc.parallel_access}
        %jit3A_290 = arith.constant 2 : i32
        %div3A_291 = arith.divsi %add3A_233, %jit3A_290 : i32
        %sign3A_292 = arith.constant 0 : i32
        %sign3A_293 = arith.cmpi sgt, %add3A_233, %sign3A_292 : i32
        %sign3A_294 = arith.extui %sign3A_293 : i1 to i32
        %sign3A_295 = arith.constant 0 : i32
        %sign3A_296 = arith.cmpi slt, %add3A_233, %sign3A_295 : i32
        %sign3A_297 = arith.extui %sign3A_296 : i1 to i32
        %sign3A_298 = arith.subi %sign3A_294, %sign3A_297 : i32
        %sign3A_299 = arith.constant 0 : i32
        %sign3A_300 = arith.cmpi sgt, %jit3A_290, %sign3A_299 : i32
        %sign3A_301 = arith.extui %sign3A_300 : i1 to i32
        %sign3A_302 = arith.constant 0 : i32
        %sign3A_303 = arith.cmpi slt, %jit3A_290, %sign3A_302 : i32
        %sign3A_304 = arith.extui %sign3A_303 : i1 to i32
        %sign3A_305 = arith.subi %sign3A_301, %sign3A_304 : i32
        %ne3A_306 = arith.cmpi ne, %sign3A_298, %sign3A_305 : i32
        %rem3A_307 = arith.remsi %add3A_233, %jit3A_290 : i32
        %ne3A_308 = arith.constant 0 : i32
        %ne3A_309 = arith.cmpi ne, %rem3A_307, %ne3A_308 : i32
        %and3A_310 = arith.andi %ne3A_306, %ne3A_309 : i1
        %sub3A_311 = arith.constant 1 : i32
        %sub3A_312 = arith.subi %div3A_291, %sub3A_311 : i32
        %select_n3A_313 = arith.select %and3A_310, %sub3A_312, %div3A_291 : i32
        %jit3A_314 = arith.constant 2 : i32
        %eq3A_315 = arith.constant 0 : i32
        %eq3A_316 = arith.cmpi eq, %jit3A_314, %eq3A_315 : i32
        %jit3A_317 = arith.constant 1 : i32
        %select_n3A_318 = arith.select %eq3A_316, %jit3A_317, %jit3A_314 : i32
        %rem3A_319 = arith.remsi %add3A_233, %select_n3A_318 : i32
        %ne3A_320 = arith.constant 0 : i32
        %ne3A_321 = arith.cmpi ne, %rem3A_319, %ne3A_320 : i32
        %lt3A_322 = arith.constant 0 : i32
        %lt3A_323 = arith.cmpi slt, %rem3A_319, %lt3A_322 : i32
        %lt3A_324 = arith.constant 0 : i32
        %lt3A_325 = arith.cmpi slt, %select_n3A_318, %lt3A_324 : i32
        %ne3A_326 = arith.xori %lt3A_323, %lt3A_325 : i1
        %and3A_327 = arith.andi %ne3A_326, %ne3A_321 : i1
        %add3A_328 = arith.addi %rem3A_319, %select_n3A_318 : i32
        %select_n3A_329 = arith.select %and3A_327, %add3A_328, %rem3A_319 : i32
        %mul3A_330 = arith.constant 1024 : i32
        %mul3A_331 = arith.muli %select_n3A_329, %mul3A_330 : i32
        %multiple_of3A_332 = tpu.assume_multiple %mul3A_331, 1024 : i32
        %add3A_333 = arith.addi %mul3A_2, %select_n3A_313 : i32
        %dma_start3A_334 = arith.constant 0 : i32
        %dma_start3A_335 = tpu.memref_slice %arg5[%add3A_333, %dma_start3A_334, %multiple_of3A_332] : memref<4096x32x2048xf32, #tpu.memory_space<hbm>> -> memref<1x32x1024xf32, #tpu.memory_space<hbm>>
        %dma_start3A_336 = tpu.memref_squeeze %dma_start3A_335 : memref<1x32x1024xf32, #tpu.memory_space<hbm>> -> memref<32x1024xf32, #tpu.memory_space<hbm>>
        %dma_start3A_337 = arith.constant 0 : i32
        %dma_start3A_338 = tpu.memref_slice %arg5[%add3A_333, %dma_start3A_337, %multiple_of3A_332] : memref<4096x32x2048xf32, #tpu.memory_space<hbm>> -> memref<1x32x1024xf32, #tpu.memory_space<hbm>>
        %dma_start3A_339 = tpu.memref_squeeze %dma_start3A_338 : memref<1x32x1024xf32, #tpu.memory_space<hbm>> -> memref<32x1024xf32, #tpu.memory_space<hbm>>
        tpu.enqueue_dma source(%arg9 : memref<32x1024xf32, #tpu.memory_space<vmem>>) target(%dma_start3A_339 : memref<32x1024xf32, #tpu.memory_space<hbm>>) target_semaphore(%arg15 : memref<!tpu.dma_semaphore, #tpu.memory_space<semaphore_mem>>)
      }
      %scan3A_95 = arith.constant 8 : i32
      %lt3A = arith.constant 14 : i32
      %lt3A_96 = arith.cmpi slt, %mul3A_81, %lt3A : i32
      %convert_element_type3A = arith.extui %lt3A_96 : i1 to i32
      %cond3A = arith.constant 0 : i32
      %cond3A_97 = arith.cmpi ne, %convert_element_type3A, %cond3A : i32
      scf.if %cond3A_97 {
        %add3A_121 = arith.constant 2 : i32
        %add3A_122 = arith.addi %mul3A_81, %add3A_121 : i32
        %mul3A_123 = arith.constant 8 : i32
        %mul3A_124 = arith.muli %add3A_122, %mul3A_123 : i32
        %add3A_125 = arith.addi %mul3A_2, %mul3A_124 : i32
        %multiple_of3A_126 = tpu.assume_multiple %add3A_125, 8 : i32
        %dma_start3A_127 = arith.constant 0 : i32
        %dma_start3A_128 = tpu.memref_slice %arg2[%multiple_of3A_126, %dma_start3A_127] : memref<4096x2048xf32, #tpu.memory_space<hbm>> -> memref<8x2048xf32, #tpu.memory_space<hbm>>
        %dma_start3A_129 = arith.constant 0 : i32
        %dma_start3A_130 = tpu.memref_slice %arg2[%multiple_of3A_126, %dma_start3A_129] : memref<4096x2048xf32, #tpu.memory_space<hbm>> -> memref<8x2048xf32, #tpu.memory_space<hbm>>
        tpu.enqueue_dma source(%dma_start3A_130 : memref<8x2048xf32, #tpu.memory_space<hbm>>) target(%arg6 : memref<8x2048xf32, #tpu.memory_space<vmem>>) target_semaphore(%arg16 : memref<!tpu.dma_semaphore, #tpu.memory_space<semaphore_mem>>)
      } else {
      }
      %mul3A_98 = arith.constant 2 : i32
      %mul3A_99 = arith.muli %scan3A_79, %mul3A_98 : i32
      %add3A_100 = arith.constant 1 : i32
      %add3A_101 = arith.addi %mul3A_99, %add3A_100 : i32
      %mul3A_102 = arith.constant 8 : i32
      %mul3A_103 = arith.muli %add3A_101, %mul3A_102 : i32
      %add3A_104 = arith.addi %mul3A_2, %mul3A_103 : i32
      %multiple_of3A_105 = tpu.assume_multiple %add3A_104, 8 : i32
      %dma_wait3A_106 = arith.constant 0 : i32
      %dma_wait3A_107 = tpu.memref_slice %arg2[%multiple_of3A_105, %dma_wait3A_106] : memref<4096x2048xf32, #tpu.memory_space<hbm>> -> memref<8x2048xf32, #tpu.memory_space<hbm>>
      %dma_wait3A_108 = arith.constant 0 : i32
      %dma_wait3A_109 = tpu.memref_slice %arg2[%multiple_of3A_105, %dma_wait3A_108] : memref<4096x2048xf32, #tpu.memory_space<hbm>> -> memref<8x2048xf32, #tpu.memory_space<hbm>>
      tpu.wait_dma2 semaphore(%arg17 : memref<!tpu.dma_semaphore, #tpu.memory_space<semaphore_mem>>) src(%dma_wait3A_109 : memref<8x2048xf32, #tpu.memory_space<hbm>>) dst(%arg7 : memref<8x2048xf32, #tpu.memory_space<vmem>>)
      %scan3A_110 = arith.constant 0 : i32
      %scan3A_111 = arith.constant 0 : i32
      %scan3A_112 = arith.constant 8 : i32
      %scan3A_113 = arith.addi %scan3A_111, %scan3A_112 : i32
      %scan3A_114 = arith.constant 1 : i32
      scf.for %scan3A_121 = %scan3A_111 to %scan3A_113 step %scan3A_114  : i32 {
        %mul3A_122 = arith.constant 16 : i32
        %mul3A_123 = arith.muli %add3A_101, %mul3A_122 : i32
        %mul3A_124 = arith.constant 2 : i32
        %mul3A_125 = arith.muli %scan3A_121, %mul3A_124 : i32
        %add3A_126 = arith.addi %mul3A_123, %mul3A_125 : i32
        %add3A_127 = arith.constant 0 : i32
        %add3A_128 = arith.addi %add3A_126, %add3A_127 : i32
        %jit3A = arith.constant 2 : i32
        %div3A = arith.divsi %add3A_128, %jit3A : i32
        %sign3A = arith.constant 0 : i32
        %sign3A_129 = arith.cmpi sgt, %add3A_128, %sign3A : i32
        %sign3A_130 = arith.extui %sign3A_129 : i1 to i32
        %sign3A_131 = arith.constant 0 : i32
        %sign3A_132 = arith.cmpi slt, %add3A_128, %sign3A_131 : i32
        %sign3A_133 = arith.extui %sign3A_132 : i1 to i32
        %sign3A_134 = arith.subi %sign3A_130, %sign3A_133 : i32
        %sign3A_135 = arith.constant 0 : i32
        %sign3A_136 = arith.cmpi sgt, %jit3A, %sign3A_135 : i32
        %sign3A_137 = arith.extui %sign3A_136 : i1 to i32
        %sign3A_138 = arith.constant 0 : i32
        %sign3A_139 = arith.cmpi slt, %jit3A, %sign3A_138 : i32
        %sign3A_140 = arith.extui %sign3A_139 : i1 to i32
        %sign3A_141 = arith.subi %sign3A_137, %sign3A_140 : i32
        %ne3A = arith.cmpi ne, %sign3A_134, %sign3A_141 : i32
        %rem3A = arith.remsi %add3A_128, %jit3A : i32
        %ne3A_142 = arith.constant 0 : i32
        %ne3A_143 = arith.cmpi ne, %rem3A, %ne3A_142 : i32
        %and3A = arith.andi %ne3A, %ne3A_143 : i1
        %sub3A_144 = arith.constant 1 : i32
        %sub3A_145 = arith.subi %div3A, %sub3A_144 : i32
        %select_n3A = arith.select %and3A, %sub3A_145, %div3A : i32
        %jit3A_146 = arith.constant 2 : i32
        %eq3A = arith.constant 0 : i32
        %eq3A_147 = arith.cmpi eq, %jit3A_146, %eq3A : i32
        %jit3A_148 = arith.constant 1 : i32
        %select_n3A_149 = arith.select %eq3A_147, %jit3A_148, %jit3A_146 : i32
        %rem3A_150 = arith.remsi %add3A_128, %select_n3A_149 : i32
        %ne3A_151 = arith.constant 0 : i32
        %ne3A_152 = arith.cmpi ne, %rem3A_150, %ne3A_151 : i32
        %lt3A_153 = arith.constant 0 : i32
        %lt3A_154 = arith.cmpi slt, %rem3A_150, %lt3A_153 : i32
        %lt3A_155 = arith.constant 0 : i32
        %lt3A_156 = arith.cmpi slt, %select_n3A_149, %lt3A_155 : i32
        %ne3A_157 = arith.xori %lt3A_154, %lt3A_156 : i1
        %and3A_158 = arith.andi %ne3A_157, %ne3A_152 : i1
        %add3A_159 = arith.addi %rem3A_150, %select_n3A_149 : i32
        %select_n3A_160 = arith.select %and3A_158, %add3A_159, %rem3A_150 : i32
        %mul3A_161 = arith.constant 1024 : i32
        %mul3A_162 = arith.muli %select_n3A_160, %mul3A_161 : i32
        %multiple_of3A_163 = tpu.assume_multiple %mul3A_162, 1024 : i32
        %add3A_164 = arith.addi %mul3A_2, %select_n3A : i32
        %dma_wait3A_165 = arith.constant 0 : i32
        %dma_wait3A_166 = tpu.memref_slice %arg5[%add3A_164, %dma_wait3A_165, %multiple_of3A_163] : memref<4096x32x2048xf32, #tpu.memory_space<hbm>> -> memref<1x32x1024xf32, #tpu.memory_space<hbm>>
        %dma_wait3A_167 = tpu.memref_squeeze %dma_wait3A_166 : memref<1x32x1024xf32, #tpu.memory_space<hbm>> -> memref<32x1024xf32, #tpu.memory_space<hbm>>
        %dma_wait3A_168 = arith.constant 0 : i32
        %dma_wait3A_169 = tpu.memref_slice %arg5[%add3A_164, %dma_wait3A_168, %multiple_of3A_163] : memref<4096x32x2048xf32, #tpu.memory_space<hbm>> -> memref<1x32x1024xf32, #tpu.memory_space<hbm>>
        %dma_wait3A_170 = tpu.memref_squeeze %dma_wait3A_169 : memref<1x32x1024xf32, #tpu.memory_space<hbm>> -> memref<32x1024xf32, #tpu.memory_space<hbm>>
        tpu.wait_dma2 semaphore(%arg14 : memref<!tpu.dma_semaphore, #tpu.memory_space<semaphore_mem>>) src(%arg8 : memref<32x1024xf32, #tpu.memory_space<vmem>>) dst(%dma_wait3A_170 : memref<32x1024xf32, #tpu.memory_space<hbm>>)
        %parallel_loop3A_171 = arith.constant 0 : i32
        %parallel_loop3A_172 = arith.constant 64 : i32
        %parallel_loop3A_173 = arith.constant 1 : i32
        scf.for %parallel_loop3A_340 = %parallel_loop3A_171 to %parallel_loop3A_172 step %parallel_loop3A_173  : i32 {
          %parallel_loop3A_341 = arith.constant 16 : i32
          %parallel_loop3A_342 = arith.muli %parallel_loop3A_340, %parallel_loop3A_341 : i32
          %parallel_loop3A_343 = arith.index_cast %parallel_loop3A_342 : i32 to index
          %parallel_loop3A_344 = tpu.vector_load %arg10[%parallel_loop3A_343] {strides = array<i32>} : memref<1024xi32, #tpu.memory_space<vmem>>, vector<16xi32>,
          %parallel_loop3A_345 = arith.constant 16 : i32
          %parallel_loop3A_346 = arith.muli %parallel_loop3A_340, %parallel_loop3A_345 : i32
          %parallel_loop3A_347 = vector.broadcast %parallel_loop3A_346 : i32 to vector<16xi32>
          %parallel_loop3A_348 = arith.addi %iota3A, %parallel_loop3A_347 : vector<16xi32>
          tpu.vector_store_idx %arg8[%parallel_loop3A_344, %parallel_loop3A_348], %broadcast_in_dim3A_13 : memref<32x1024xf32, #tpu.memory_space<vmem>>[vector<16xi32>, vector<16xi32>], vector<16xf32>,
        } {sc.loop_unroll_factor = 8 : i64, sc.parallel_access}
        %parallel_loop3A_174 = arith.constant 0 : i32
        %parallel_loop3A_175 = arith.constant 64 : i32
        %parallel_loop3A_176 = arith.constant 1 : i32
        scf.for %parallel_loop3A_340 = %parallel_loop3A_174 to %parallel_loop3A_175 step %parallel_loop3A_176  : i32 {
          %parallel_loop3A_341 = arith.constant 16 : i32
          %parallel_loop3A_342 = arith.muli %parallel_loop3A_340, %parallel_loop3A_341 : i32
          %parallel_loop3A_343 = arith.constant 0 : i32
          %parallel_loop3A_344 = arith.addi %parallel_loop3A_343, %parallel_loop3A_342 : i32
          %parallel_loop3A_345 = arith.index_cast %scan3A_121 : i32 to index
          %parallel_loop3A_346 = arith.index_cast %parallel_loop3A_344 : i32 to index
          %parallel_loop3A_347 = tpu.vector_load %arg7[%parallel_loop3A_345, %parallel_loop3A_346] {strides = array<i32>} : memref<8x2048xf32, #tpu.memory_space<vmem>>, vector<16xf32>,
          %parallel_loop3A_348 = arith.subf %parallel_loop3A_347, %get3A_5 : vector<16xf32>
          %parallel_loop3A_349 = arith.divf %parallel_loop3A_348, %add3A_12 : vector<16xf32>
          %parallel_loop3A_350 = arith.constant 1.000000e+00 : f32
          %parallel_loop3A_351 = vector.broadcast %parallel_loop3A_350 : f32 to vector<16xf32>
          %parallel_loop3A_352 = arith.subf %parallel_loop3A_351, %parallel_loop3A_349 : vector<16xf32>
          %parallel_loop3A_353 = arith.constant 3.100000e+01 : f32
          %parallel_loop3A_354 = vector.broadcast %parallel_loop3A_353 : f32 to vector<16xf32>
          %parallel_loop3A_355 = arith.mulf %parallel_loop3A_352, %parallel_loop3A_354 : vector<16xf32>
          %parallel_loop3A_356 = arith.fptosi %parallel_loop3A_355 : vector<16xf32> to vector<16xi32>
          %parallel_loop3A_357 = arith.constant 16 : i32
          %parallel_loop3A_358 = arith.muli %parallel_loop3A_340, %parallel_loop3A_357 : i32
          %parallel_loop3A_359 = vector.broadcast %parallel_loop3A_358 : i32 to vector<16xi32>
          %parallel_loop3A_360 = arith.addi %iota3A, %parallel_loop3A_359 : vector<16xi32>
          tpu.vector_store_idx %arg8[%parallel_loop3A_356, %parallel_loop3A_360], %broadcast_in_dim3A_17 : memref<32x1024xf32, #tpu.memory_space<vmem>>[vector<16xi32>, vector<16xi32>], vector<16xf32>,
          %parallel_loop3A_361 = arith.constant 16 : i32
          %parallel_loop3A_362 = arith.muli %parallel_loop3A_340, %parallel_loop3A_361 : i32
          %parallel_loop3A_363 = arith.index_cast %parallel_loop3A_362 : i32 to index
          %parallel_loop3A_364 = tpu.vector_load %arg10[%parallel_loop3A_363] {strides = array<i32>} : memref<1024xi32, #tpu.memory_space<vmem>>, vector<16xi32>,
          tpu.vector_store %arg10[%parallel_loop3A_363], %parallel_loop3A_356 {strides = array<i32>} : memref<1024xi32, #tpu.memory_space<vmem>>, vector<16xi32>,
        } {sc.loop_unroll_factor = 8 : i64, sc.parallel_access}
        %jit3A_177 = arith.constant 2 : i32
        %div3A_178 = arith.divsi %add3A_128, %jit3A_177 : i32
        %sign3A_179 = arith.constant 0 : i32
        %sign3A_180 = arith.cmpi sgt, %add3A_128, %sign3A_179 : i32
        %sign3A_181 = arith.extui %sign3A_180 : i1 to i32
        %sign3A_182 = arith.constant 0 : i32
        %sign3A_183 = arith.cmpi slt, %add3A_128, %sign3A_182 : i32
        %sign3A_184 = arith.extui %sign3A_183 : i1 to i32
        %sign3A_185 = arith.subi %sign3A_181, %sign3A_184 : i32
        %sign3A_186 = arith.constant 0 : i32
        %sign3A_187 = arith.cmpi sgt, %jit3A_177, %sign3A_186 : i32
        %sign3A_188 = arith.extui %sign3A_187 : i1 to i32
        %sign3A_189 = arith.constant 0 : i32
        %sign3A_190 = arith.cmpi slt, %jit3A_177, %sign3A_189 : i32
        %sign3A_191 = arith.extui %sign3A_190 : i1 to i32
        %sign3A_192 = arith.subi %sign3A_188, %sign3A_191 : i32
        %ne3A_193 = arith.cmpi ne, %sign3A_185, %sign3A_192 : i32
        %rem3A_194 = arith.remsi %add3A_128, %jit3A_177 : i32
        %ne3A_195 = arith.constant 0 : i32
        %ne3A_196 = arith.cmpi ne, %rem3A_194, %ne3A_195 : i32
        %and3A_197 = arith.andi %ne3A_193, %ne3A_196 : i1
        %sub3A_198 = arith.constant 1 : i32
        %sub3A_199 = arith.subi %div3A_178, %sub3A_198 : i32
        %select_n3A_200 = arith.select %and3A_197, %sub3A_199, %div3A_178 : i32
        %jit3A_201 = arith.constant 2 : i32
        %eq3A_202 = arith.constant 0 : i32
        %eq3A_203 = arith.cmpi eq, %jit3A_201, %eq3A_202 : i32
        %jit3A_204 = arith.constant 1 : i32
        %select_n3A_205 = arith.select %eq3A_203, %jit3A_204, %jit3A_201 : i32
        %rem3A_206 = arith.remsi %add3A_128, %select_n3A_205 : i32
        %ne3A_207 = arith.constant 0 : i32
        %ne3A_208 = arith.cmpi ne, %rem3A_206, %ne3A_207 : i32
        %lt3A_209 = arith.constant 0 : i32
        %lt3A_210 = arith.cmpi slt, %rem3A_206, %lt3A_209 : i32
        %lt3A_211 = arith.constant 0 : i32
        %lt3A_212 = arith.cmpi slt, %select_n3A_205, %lt3A_211 : i32
        %ne3A_213 = arith.xori %lt3A_210, %lt3A_212 : i1
        %and3A_214 = arith.andi %ne3A_213, %ne3A_208 : i1
        %add3A_215 = arith.addi %rem3A_206, %select_n3A_205 : i32
        %select_n3A_216 = arith.select %and3A_214, %add3A_215, %rem3A_206 : i32
        %mul3A_217 = arith.constant 1024 : i32
        %mul3A_218 = arith.muli %select_n3A_216, %mul3A_217 : i32
        %multiple_of3A_219 = tpu.assume_multiple %mul3A_218, 1024 : i32
        %add3A_220 = arith.addi %mul3A_2, %select_n3A_200 : i32
        %dma_start3A_221 = arith.constant 0 : i32
        %dma_start3A_222 = tpu.memref_slice %arg5[%add3A_220, %dma_start3A_221, %multiple_of3A_219] : memref<4096x32x2048xf32, #tpu.memory_space<hbm>> -> memref<1x32x1024xf32, #tpu.memory_space<hbm>>
        %dma_start3A_223 = tpu.memref_squeeze %dma_start3A_222 : memref<1x32x1024xf32, #tpu.memory_space<hbm>> -> memref<32x1024xf32, #tpu.memory_space<hbm>>
        %dma_start3A_224 = arith.constant 0 : i32
        %dma_start3A_225 = tpu.memref_slice %arg5[%add3A_220, %dma_start3A_224, %multiple_of3A_219] : memref<4096x32x2048xf32, #tpu.memory_space<hbm>> -> memref<1x32x1024xf32, #tpu.memory_space<hbm>>
        %dma_start3A_226 = tpu.memref_squeeze %dma_start3A_225 : memref<1x32x1024xf32, #tpu.memory_space<hbm>> -> memref<32x1024xf32, #tpu.memory_space<hbm>>
        tpu.enqueue_dma source(%arg8 : memref<32x1024xf32, #tpu.memory_space<vmem>>) target(%dma_start3A_226 : memref<32x1024xf32, #tpu.memory_space<hbm>>) target_semaphore(%arg14 : memref<!tpu.dma_semaphore, #tpu.memory_space<semaphore_mem>>)
        %mul3A_227 = arith.constant 16 : i32
        %mul3A_228 = arith.muli %add3A_101, %mul3A_227 : i32
        %mul3A_229 = arith.constant 2 : i32
        %mul3A_230 = arith.muli %scan3A_121, %mul3A_229 : i32
        %add3A_231 = arith.addi %mul3A_228, %mul3A_230 : i32
        %add3A_232 = arith.constant 1 : i32
        %add3A_233 = arith.addi %add3A_231, %add3A_232 : i32
        %jit3A_234 = arith.constant 2 : i32
        %div3A_235 = arith.divsi %add3A_233, %jit3A_234 : i32
        %sign3A_236 = arith.constant 0 : i32
        %sign3A_237 = arith.cmpi sgt, %add3A_233, %sign3A_236 : i32
        %sign3A_238 = arith.extui %sign3A_237 : i1 to i32
        %sign3A_239 = arith.constant 0 : i32
        %sign3A_240 = arith.cmpi slt, %add3A_233, %sign3A_239 : i32
        %sign3A_241 = arith.extui %sign3A_240 : i1 to i32
        %sign3A_242 = arith.subi %sign3A_238, %sign3A_241 : i32
        %sign3A_243 = arith.constant 0 : i32
        %sign3A_244 = arith.cmpi sgt, %jit3A_234, %sign3A_243 : i32
        %sign3A_245 = arith.extui %sign3A_244 : i1 to i32
        %sign3A_246 = arith.constant 0 : i32
        %sign3A_247 = arith.cmpi slt, %jit3A_234, %sign3A_246 : i32
        %sign3A_248 = arith.extui %sign3A_247 : i1 to i32
        %sign3A_249 = arith.subi %sign3A_245, %sign3A_248 : i32
        %ne3A_250 = arith.cmpi ne, %sign3A_242, %sign3A_249 : i32
        %rem3A_251 = arith.remsi %add3A_233, %jit3A_234 : i32
        %ne3A_252 = arith.constant 0 : i32
        %ne3A_253 = arith.cmpi ne, %rem3A_251, %ne3A_252 : i32
        %and3A_254 = arith.andi %ne3A_250, %ne3A_253 : i1
        %sub3A_255 = arith.constant 1 : i32
        %sub3A_256 = arith.subi %div3A_235, %sub3A_255 : i32
        %select_n3A_257 = arith.select %and3A_254, %sub3A_256, %div3A_235 : i32
        %jit3A_258 = arith.constant 2 : i32
        %eq3A_259 = arith.constant 0 : i32
        %eq3A_260 = arith.cmpi eq, %jit3A_258, %eq3A_259 : i32
        %jit3A_261 = arith.constant 1 : i32
        %select_n3A_262 = arith.select %eq3A_260, %jit3A_261, %jit3A_258 : i32
        %rem3A_263 = arith.remsi %add3A_233, %select_n3A_262 : i32
        %ne3A_264 = arith.constant 0 : i32
        %ne3A_265 = arith.cmpi ne, %rem3A_263, %ne3A_264 : i32
        %lt3A_266 = arith.constant 0 : i32
        %lt3A_267 = arith.cmpi slt, %rem3A_263, %lt3A_266 : i32
        %lt3A_268 = arith.constant 0 : i32
        %lt3A_269 = arith.cmpi slt, %select_n3A_262, %lt3A_268 : i32
        %ne3A_270 = arith.xori %lt3A_267, %lt3A_269 : i1
        %and3A_271 = arith.andi %ne3A_270, %ne3A_265 : i1
        %add3A_272 = arith.addi %rem3A_263, %select_n3A_262 : i32
        %select_n3A_273 = arith.select %and3A_271, %add3A_272, %rem3A_263 : i32
        %mul3A_274 = arith.constant 1024 : i32
        %mul3A_275 = arith.muli %select_n3A_273, %mul3A_274 : i32
        %multiple_of3A_276 = tpu.assume_multiple %mul3A_275, 1024 : i32
        %add3A_277 = arith.addi %mul3A_2, %select_n3A_257 : i32
        %dma_wait3A_278 = arith.constant 0 : i32
        %dma_wait3A_279 = tpu.memref_slice %arg5[%add3A_277, %dma_wait3A_278, %multiple_of3A_276] : memref<4096x32x2048xf32, #tpu.memory_space<hbm>> -> memref<1x32x1024xf32, #tpu.memory_space<hbm>>
        %dma_wait3A_280 = tpu.memref_squeeze %dma_wait3A_279 : memref<1x32x1024xf32, #tpu.memory_space<hbm>> -> memref<32x1024xf32, #tpu.memory_space<hbm>>
        %dma_wait3A_281 = arith.constant 0 : i32
        %dma_wait3A_282 = tpu.memref_slice %arg5[%add3A_277, %dma_wait3A_281, %multiple_of3A_276] : memref<4096x32x2048xf32, #tpu.memory_space<hbm>> -> memref<1x32x1024xf32, #tpu.memory_space<hbm>>
        %dma_wait3A_283 = tpu.memref_squeeze %dma_wait3A_282 : memref<1x32x1024xf32, #tpu.memory_space<hbm>> -> memref<32x1024xf32, #tpu.memory_space<hbm>>
        tpu.wait_dma2 semaphore(%arg15 : memref<!tpu.dma_semaphore, #tpu.memory_space<semaphore_mem>>) src(%arg9 : memref<32x1024xf32, #tpu.memory_space<vmem>>) dst(%dma_wait3A_283 : memref<32x1024xf32, #tpu.memory_space<hbm>>)
        %parallel_loop3A_284 = arith.constant 0 : i32
        %parallel_loop3A_285 = arith.constant 64 : i32
        %parallel_loop3A_286 = arith.constant 1 : i32
        scf.for %parallel_loop3A_340 = %parallel_loop3A_284 to %parallel_loop3A_285 step %parallel_loop3A_286  : i32 {
          %parallel_loop3A_341 = arith.constant 16 : i32
          %parallel_loop3A_342 = arith.muli %parallel_loop3A_340, %parallel_loop3A_341 : i32
          %parallel_loop3A_343 = arith.index_cast %parallel_loop3A_342 : i32 to index
          %parallel_loop3A_344 = tpu.vector_load %arg11[%parallel_loop3A_343] {strides = array<i32>} : memref<1024xi32, #tpu.memory_space<vmem>>, vector<16xi32>,
          %parallel_loop3A_345 = arith.constant 16 : i32
          %parallel_loop3A_346 = arith.muli %parallel_loop3A_340, %parallel_loop3A_345 : i32
          %parallel_loop3A_347 = vector.broadcast %parallel_loop3A_346 : i32 to vector<16xi32>
          %parallel_loop3A_348 = arith.addi %iota3A, %parallel_loop3A_347 : vector<16xi32>
          tpu.vector_store_idx %arg9[%parallel_loop3A_344, %parallel_loop3A_348], %broadcast_in_dim3A_13 : memref<32x1024xf32, #tpu.memory_space<vmem>>[vector<16xi32>, vector<16xi32>], vector<16xf32>,
        } {sc.loop_unroll_factor = 8 : i64, sc.parallel_access}
        %parallel_loop3A_287 = arith.constant 0 : i32
        %parallel_loop3A_288 = arith.constant 64 : i32
        %parallel_loop3A_289 = arith.constant 1 : i32
        scf.for %parallel_loop3A_340 = %parallel_loop3A_287 to %parallel_loop3A_288 step %parallel_loop3A_289  : i32 {
          %parallel_loop3A_341 = arith.constant 16 : i32
          %parallel_loop3A_342 = arith.muli %parallel_loop3A_340, %parallel_loop3A_341 : i32
          %parallel_loop3A_343 = arith.constant 1024 : i32
          %parallel_loop3A_344 = arith.addi %parallel_loop3A_343, %parallel_loop3A_342 : i32
          %parallel_loop3A_345 = arith.index_cast %scan3A_121 : i32 to index
          %parallel_loop3A_346 = arith.index_cast %parallel_loop3A_344 : i32 to index
          %parallel_loop3A_347 = tpu.vector_load %arg7[%parallel_loop3A_345, %parallel_loop3A_346] {strides = array<i32>} : memref<8x2048xf32, #tpu.memory_space<vmem>>, vector<16xf32>,
          %parallel_loop3A_348 = arith.subf %parallel_loop3A_347, %get3A_5 : vector<16xf32>
          %parallel_loop3A_349 = arith.divf %parallel_loop3A_348, %add3A_12 : vector<16xf32>
          %parallel_loop3A_350 = arith.constant 1.000000e+00 : f32
          %parallel_loop3A_351 = vector.broadcast %parallel_loop3A_350 : f32 to vector<16xf32>
          %parallel_loop3A_352 = arith.subf %parallel_loop3A_351, %parallel_loop3A_349 : vector<16xf32>
          %parallel_loop3A_353 = arith.constant 3.100000e+01 : f32
          %parallel_loop3A_354 = vector.broadcast %parallel_loop3A_353 : f32 to vector<16xf32>
          %parallel_loop3A_355 = arith.mulf %parallel_loop3A_352, %parallel_loop3A_354 : vector<16xf32>
          %parallel_loop3A_356 = arith.fptosi %parallel_loop3A_355 : vector<16xf32> to vector<16xi32>
          %parallel_loop3A_357 = arith.constant 16 : i32
          %parallel_loop3A_358 = arith.muli %parallel_loop3A_340, %parallel_loop3A_357 : i32
          %parallel_loop3A_359 = vector.broadcast %parallel_loop3A_358 : i32 to vector<16xi32>
          %parallel_loop3A_360 = arith.addi %iota3A, %parallel_loop3A_359 : vector<16xi32>
          tpu.vector_store_idx %arg9[%parallel_loop3A_356, %parallel_loop3A_360], %broadcast_in_dim3A_17 : memref<32x1024xf32, #tpu.memory_space<vmem>>[vector<16xi32>, vector<16xi32>], vector<16xf32>,
          %parallel_loop3A_361 = arith.constant 16 : i32
          %parallel_loop3A_362 = arith.muli %parallel_loop3A_340, %parallel_loop3A_361 : i32
          %parallel_loop3A_363 = arith.index_cast %parallel_loop3A_362 : i32 to index
          %parallel_loop3A_364 = tpu.vector_load %arg11[%parallel_loop3A_363] {strides = array<i32>} : memref<1024xi32, #tpu.memory_space<vmem>>, vector<16xi32>,
          tpu.vector_store %arg11[%parallel_loop3A_363], %parallel_loop3A_356 {strides = array<i32>} : memref<1024xi32, #tpu.memory_space<vmem>>, vector<16xi32>,
        } {sc.loop_unroll_factor = 8 : i64, sc.parallel_access}
        %jit3A_290 = arith.constant 2 : i32
        %div3A_291 = arith.divsi %add3A_233, %jit3A_290 : i32
        %sign3A_292 = arith.constant 0 : i32
        %sign3A_293 = arith.cmpi sgt, %add3A_233, %sign3A_292 : i32
        %sign3A_294 = arith.extui %sign3A_293 : i1 to i32
        %sign3A_295 = arith.constant 0 : i32
        %sign3A_296 = arith.cmpi slt, %add3A_233, %sign3A_295 : i32
        %sign3A_297 = arith.extui %sign3A_296 : i1 to i32
        %sign3A_298 = arith.subi %sign3A_294, %sign3A_297 : i32
        %sign3A_299 = arith.constant 0 : i32
        %sign3A_300 = arith.cmpi sgt, %jit3A_290, %sign3A_299 : i32
        %sign3A_301 = arith.extui %sign3A_300 : i1 to i32
        %sign3A_302 = arith.constant 0 : i32
        %sign3A_303 = arith.cmpi slt, %jit3A_290, %sign3A_302 : i32
        %sign3A_304 = arith.extui %sign3A_303 : i1 to i32
        %sign3A_305 = arith.subi %sign3A_301, %sign3A_304 : i32
        %ne3A_306 = arith.cmpi ne, %sign3A_298, %sign3A_305 : i32
        %rem3A_307 = arith.remsi %add3A_233, %jit3A_290 : i32
        %ne3A_308 = arith.constant 0 : i32
        %ne3A_309 = arith.cmpi ne, %rem3A_307, %ne3A_308 : i32
        %and3A_310 = arith.andi %ne3A_306, %ne3A_309 : i1
        %sub3A_311 = arith.constant 1 : i32
        %sub3A_312 = arith.subi %div3A_291, %sub3A_311 : i32
        %select_n3A_313 = arith.select %and3A_310, %sub3A_312, %div3A_291 : i32
        %jit3A_314 = arith.constant 2 : i32
        %eq3A_315 = arith.constant 0 : i32
        %eq3A_316 = arith.cmpi eq, %jit3A_314, %eq3A_315 : i32
        %jit3A_317 = arith.constant 1 : i32
        %select_n3A_318 = arith.select %eq3A_316, %jit3A_317, %jit3A_314 : i32
        %rem3A_319 = arith.remsi %add3A_233, %select_n3A_318 : i32
        %ne3A_320 = arith.constant 0 : i32
        %ne3A_321 = arith.cmpi ne, %rem3A_319, %ne3A_320 : i32
        %lt3A_322 = arith.constant 0 : i32
        %lt3A_323 = arith.cmpi slt, %rem3A_319, %lt3A_322 : i32
        %lt3A_324 = arith.constant 0 : i32
        %lt3A_325 = arith.cmpi slt, %select_n3A_318, %lt3A_324 : i32
        %ne3A_326 = arith.xori %lt3A_323, %lt3A_325 : i1
        %and3A_327 = arith.andi %ne3A_326, %ne3A_321 : i1
        %add3A_328 = arith.addi %rem3A_319, %select_n3A_318 : i32
        %select_n3A_329 = arith.select %and3A_327, %add3A_328, %rem3A_319 : i32
        %mul3A_330 = arith.constant 1024 : i32
        %mul3A_331 = arith.muli %select_n3A_329, %mul3A_330 : i32
        %multiple_of3A_332 = tpu.assume_multiple %mul3A_331, 1024 : i32
        %add3A_333 = arith.addi %mul3A_2, %select_n3A_313 : i32
        %dma_start3A_334 = arith.constant 0 : i32
        %dma_start3A_335 = tpu.memref_slice %arg5[%add3A_333, %dma_start3A_334, %multiple_of3A_332] : memref<4096x32x2048xf32, #tpu.memory_space<hbm>> -> memref<1x32x1024xf32, #tpu.memory_space<hbm>>
        %dma_start3A_336 = tpu.memref_squeeze %dma_start3A_335 : memref<1x32x1024xf32, #tpu.memory_space<hbm>> -> memref<32x1024xf32, #tpu.memory_space<hbm>>
        %dma_start3A_337 = arith.constant 0 : i32
        %dma_start3A_338 = tpu.memref_slice %arg5[%add3A_333, %dma_start3A_337, %multiple_of3A_332] : memref<4096x32x2048xf32, #tpu.memory_space<hbm>> -> memref<1x32x1024xf32, #tpu.memory_space<hbm>>
        %dma_start3A_339 = tpu.memref_squeeze %dma_start3A_338 : memref<1x32x1024xf32, #tpu.memory_space<hbm>> -> memref<32x1024xf32, #tpu.memory_space<hbm>>
        tpu.enqueue_dma source(%arg9 : memref<32x1024xf32, #tpu.memory_space<vmem>>) target(%dma_start3A_339 : memref<32x1024xf32, #tpu.memory_space<hbm>>) target_semaphore(%arg15 : memref<!tpu.dma_semaphore, #tpu.memory_space<semaphore_mem>>)
      }
      %scan3A_115 = arith.constant 8 : i32
      %lt3A_116 = arith.constant 14 : i32
      %lt3A_117 = arith.cmpi slt, %add3A_101, %lt3A_116 : i32
      %convert_element_type3A_118 = arith.extui %lt3A_117 : i1 to i32
      %cond3A_119 = arith.constant 0 : i32
      %cond3A_120 = arith.cmpi ne, %convert_element_type3A_118, %cond3A_119 : i32
      scf.if %cond3A_120 {
        %add3A_121 = arith.constant 2 : i32
        %add3A_122 = arith.addi %add3A_101, %add3A_121 : i32
        %mul3A_123 = arith.constant 8 : i32
        %mul3A_124 = arith.muli %add3A_122, %mul3A_123 : i32
        %add3A_125 = arith.addi %mul3A_2, %mul3A_124 : i32
        %multiple_of3A_126 = tpu.assume_multiple %add3A_125, 8 : i32
        %dma_start3A_127 = arith.constant 0 : i32
        %dma_start3A_128 = tpu.memref_slice %arg2[%multiple_of3A_126, %dma_start3A_127] : memref<4096x2048xf32, #tpu.memory_space<hbm>> -> memref<8x2048xf32, #tpu.memory_space<hbm>>
        %dma_start3A_129 = arith.constant 0 : i32
        %dma_start3A_130 = tpu.memref_slice %arg2[%multiple_of3A_126, %dma_start3A_129] : memref<4096x2048xf32, #tpu.memory_space<hbm>> -> memref<8x2048xf32, #tpu.memory_space<hbm>>
        tpu.enqueue_dma source(%dma_start3A_130 : memref<8x2048xf32, #tpu.memory_space<hbm>>) target(%arg7 : memref<8x2048xf32, #tpu.memory_space<vmem>>) target_semaphore(%arg17 : memref<!tpu.dma_semaphore, #tpu.memory_space<semaphore_mem>>)
      } else {
      }
    }
    %scan3A_59 = arith.constant 8 : i32
    %multiple_of3A_60 = arith.constant 0 : i32
    %multiple_of3A_61 = tpu.assume_multiple %multiple_of3A_60, 1024 : i32
    %add3A_62 = arith.constant 127 : i32
    %add3A_63 = arith.addi %mul3A_2, %add3A_62 : i32
    %dma_wait3A = arith.constant 0 : i32
    %dma_wait3A_64 = tpu.memref_slice %arg5[%add3A_63, %dma_wait3A, %multiple_of3A_61] : memref<4096x32x2048xf32, #tpu.memory_space<hbm>> -> memref<1x32x1024xf32, #tpu.memory_space<hbm>>
    %dma_wait3A_65 = tpu.memref_squeeze %dma_wait3A_64 : memref<1x32x1024xf32, #tpu.memory_space<hbm>> -> memref<32x1024xf32, #tpu.memory_space<hbm>>
    %dma_wait3A_66 = arith.constant 0 : i32
    %dma_wait3A_67 = tpu.memref_slice %arg5[%add3A_63, %dma_wait3A_66, %multiple_of3A_61] : memref<4096x32x2048xf32, #tpu.memory_space<hbm>> -> memref<1x32x1024xf32, #tpu.memory_space<hbm>>
    %dma_wait3A_68 = tpu.memref_squeeze %dma_wait3A_67 : memref<1x32x1024xf32, #tpu.memory_space<hbm>> -> memref<32x1024xf32, #tpu.memory_space<hbm>>
    tpu.wait_dma2 semaphore(%arg14 : memref<!tpu.dma_semaphore, #tpu.memory_space<semaphore_mem>>) src(%arg8 : memref<32x1024xf32, #tpu.memory_space<vmem>>) dst(%dma_wait3A_68 : memref<32x1024xf32, #tpu.memory_space<hbm>>)
    %multiple_of3A_69 = arith.constant 1024 : i32
    %multiple_of3A_70 = tpu.assume_multiple %multiple_of3A_69, 1024 : i32
    %add3A_71 = arith.constant 127 : i32
    %add3A_72 = arith.addi %mul3A_2, %add3A_71 : i32
    %dma_wait3A_73 = arith.constant 0 : i32
    %dma_wait3A_74 = tpu.memref_slice %arg5[%add3A_72, %dma_wait3A_73, %multiple_of3A_70] : memref<4096x32x2048xf32, #tpu.memory_space<hbm>> -> memref<1x32x1024xf32, #tpu.memory_space<hbm>>
    %dma_wait3A_75 = tpu.memref_squeeze %dma_wait3A_74 : memref<1x32x1024xf32, #tpu.memory_space<hbm>> -> memref<32x1024xf32, #tpu.memory_space<hbm>>
    %dma_wait3A_76 = arith.constant 0 : i32
    %dma_wait3A_77 = tpu.memref_slice %arg5[%add3A_72, %dma_wait3A_76, %multiple_of3A_70] : memref<4096x32x2048xf32, #tpu.memory_space<hbm>> -> memref<1x32x1024xf32, #tpu.memory_space<hbm>>
    %dma_wait3A_78 = tpu.memref_squeeze %dma_wait3A_77 : memref<1x32x1024xf32, #tpu.memory_space<hbm>> -> memref<32x1024xf32, #tpu.memory_space<hbm>>
    tpu.wait_dma2 semaphore(%arg15 : memref<!tpu.dma_semaphore, #tpu.memory_space<semaphore_mem>>) src(%arg9 : memref<32x1024xf32, #tpu.memory_space<vmem>>) dst(%dma_wait3A_78 : memref<32x1024xf32, #tpu.memory_space<hbm>>)
    return
  }
}

module attributes {stable_mosaic.version = 14 : i64} {
  func.func @_minmax_body(%arg0: i32, %arg1: memref<512x2048xf32, #tpu.memory_space<vmem>>, %arg2: memref<8x128xf32, #tpu.memory_space<vmem>>, %arg3: memref<8x128xf32, #tpu.memory_space<vmem>>) attributes {dimension_semantics = [#tpu.dimension_semantics<arbitrary>], iteration_bounds = array<i64: 8>, scalar_prefetch = 0 : i64, scratch_operands = 0 : i64, tpu.core_type = #tpu.core_type<tc>, window_params = [{transform_indices = @transform_0, window_bounds = array<i64: 512, 2048>}, {pipeline_mode = #tpu.pipeline_mode<synchronous>, transform_indices = @transform_1, window_bounds = array<i64: 8, 128>}, {pipeline_mode = #tpu.pipeline_mode<synchronous>, transform_indices = @transform_2, window_bounds = array<i64: 8, 128>}]} {
    %get3A = arith.constant 0 : index
    %get3A_0 = arith.constant 0 : index
    %get3A_1 = vector.load %arg1[%get3A, %get3A_0] : memref<512x2048xf32, #tpu.memory_space<vmem>>, vector<512x2048xf32>
    %reduce_min3A = vector.shape_cast %get3A_1 : vector<512x2048xf32> to vector<1x512x2048xf32>
    %reduce_min3A_2 = arith.constant dense<0x7F800000> : vector<1xf32>
    %reduce_min3A_3 = vector.multi_reduction <minimumf>, %reduce_min3A, %reduce_min3A_2 [1, 2] : vector<1x512x2048xf32> to vector<1xf32>
    %reduce_min3A_4 = vector.shape_cast %reduce_min3A_3 : vector<1xf32> to vector<1x1x1xf32>
    %reduce_min3A_5 = vector.extract %reduce_min3A_4[0, 0, 0] : f32 from vector<1x1x1xf32>
    %get3A_6 = arith.constant 0 : index
    %get3A_7 = arith.constant 0 : index
    %get3A_8 = vector.load %arg1[%get3A_6, %get3A_7] : memref<512x2048xf32, #tpu.memory_space<vmem>>, vector<512x2048xf32>
    %reduce_max3A = vector.shape_cast %get3A_8 : vector<512x2048xf32> to vector<1x512x2048xf32>
    %reduce_max3A_9 = arith.constant dense<0xFF800000> : vector<1xf32>
    %reduce_max3A_10 = vector.multi_reduction <maximumf>, %reduce_max3A, %reduce_max3A_9 [1, 2] : vector<1x512x2048xf32> to vector<1xf32>
    %reduce_max3A_11 = vector.shape_cast %reduce_max3A_10 : vector<1xf32> to vector<1x1x1xf32>
    %reduce_max3A_12 = vector.extract %reduce_max3A_11[0, 0, 0] : f32 from vector<1x1x1xf32>
    %eq3A = arith.constant 0 : i32
    %eq3A_13 = arith.cmpi eq, %arg0, %eq3A : i32
    %convert_element_type3A = arith.extui %eq3A_13 : i1 to i32
    %cond3A = arith.constant 0 : i32
    %cond3A_14 = arith.cmpi ne, %convert_element_type3A, %cond3A : i32
    scf.if %cond3A_14 {
      %broadcast_in_dim3A = vector.broadcast %reduce_min3A_5 : f32 to vector<8x128xf32>
      %swap3A = arith.constant 0 : index
      %swap3A_19 = arith.constant 0 : index
      %swap3A_20 = vector.load %arg2[%swap3A, %swap3A_19] : memref<8x128xf32, #tpu.memory_space<vmem>>, vector<8x128xf32>
      tpu.vector_store %arg2[%swap3A, %swap3A_19], %broadcast_in_dim3A {strides = array<i32>} : memref<8x128xf32, #tpu.memory_space<vmem>>, vector<8x128xf32>,
      %broadcast_in_dim3A_21 = vector.broadcast %reduce_max3A_12 : f32 to vector<8x128xf32>
      %swap3A_22 = arith.constant 0 : index
      %swap3A_23 = arith.constant 0 : index
      %swap3A_24 = vector.load %arg3[%swap3A_22, %swap3A_23] : memref<8x128xf32, #tpu.memory_space<vmem>>, vector<8x128xf32>
      tpu.vector_store %arg3[%swap3A_22, %swap3A_23], %broadcast_in_dim3A_21 {strides = array<i32>} : memref<8x128xf32, #tpu.memory_space<vmem>>, vector<8x128xf32>,
    } else {
    }
    %ne3A = arith.constant 0 : i32
    %ne3A_15 = arith.cmpi ne, %arg0, %ne3A : i32
    %convert_element_type3A_16 = arith.extui %ne3A_15 : i1 to i32
    %cond3A_17 = arith.constant 0 : i32
    %cond3A_18 = arith.cmpi ne, %convert_element_type3A_16, %cond3A_17 : i32
    scf.if %cond3A_18 {
      %get3A_19 = arith.constant 0 : index
      %get3A_20 = arith.constant 0 : index
      %get3A_21 = vector.load %arg2[%get3A_19, %get3A_20] : memref<8x128xf32, #tpu.memory_space<vmem>>, vector<8x128xf32>
      %min3A = vector.broadcast %reduce_min3A_5 : f32 to vector<8x128xf32>
      %min3A_22 = arith.minimumf %get3A_21, %min3A : vector<8x128xf32>
      %swap3A = arith.constant 0 : index
      %swap3A_23 = arith.constant 0 : index
      %swap3A_24 = vector.load %arg2[%swap3A, %swap3A_23] : memref<8x128xf32, #tpu.memory_space<vmem>>, vector<8x128xf32>
      tpu.vector_store %arg2[%swap3A, %swap3A_23], %min3A_22 {strides = array<i32>} : memref<8x128xf32, #tpu.memory_space<vmem>>, vector<8x128xf32>,
      %get3A_25 = arith.constant 0 : index
      %get3A_26 = arith.constant 0 : index
      %get3A_27 = vector.load %arg3[%get3A_25, %get3A_26] : memref<8x128xf32, #tpu.memory_space<vmem>>, vector<8x128xf32>
      %max3A = vector.broadcast %reduce_max3A_12 : f32 to vector<8x128xf32>
      %max3A_28 = arith.maximumf %get3A_27, %max3A : vector<8x128xf32>
      %swap3A_29 = arith.constant 0 : index
      %swap3A_30 = arith.constant 0 : index
      %swap3A_31 = vector.load %arg3[%swap3A_29, %swap3A_30] : memref<8x128xf32, #tpu.memory_space<vmem>>, vector<8x128xf32>
      tpu.vector_store %arg3[%swap3A_29, %swap3A_30], %max3A_28 {strides = array<i32>} : memref<8x128xf32, #tpu.memory_space<vmem>>, vector<8x128xf32>,
    } else {
    }
    return
  }
  func.func @transform_0(%arg0: i32) -> (i32, i32) {
    %c0_i32 = arith.constant 0 : i32
    %c0_i32_0 = arith.constant 0 : i32
    return %arg0, %c0_i32 : i32, i32
  }
  func.func @transform_1(%arg0: i32) -> (i32, i32) {
    %c0_i32 = arith.constant 0 : i32
    %c0_i32_0 = arith.constant 0 : i32
    %c0_i32_1 = arith.constant 0 : i32
    return %c0_i32, %c0_i32_0 : i32, i32
  }
  func.func @transform_2(%arg0: i32) -> (i32, i32) {
    %c0_i32 = arith.constant 0 : i32
    %c0_i32_0 = arith.constant 0 : i32
    %c0_i32_1 = arith.constant 0 : i32
    return %c0_i32, %c0_i32_0 : i32, i32
  }
}

</mosaic_0001>

<sc_bundles>
// kernel: kernel.4.cloned.1.call-start
scs
__scs_entry_jumppad:
0x0: {  	(pc) =	sbr.rel $0x88, $3  }
0x1: {  	(tag) =	ssettag $0x0;
	lr =	simm.s32 $0x1  }
0x2: {  	[smem:$0x3FA0] =	sst lr;
	_ =	strace $0xD0000000  }
0x3: {  	_ = 	snop  }
0x4: {  	_ = 	snop  }
0x5: {  	_ = 	snop  }
0x6: {  	_ = 	snop  }
0x7: {  	_ = 	snop  }
__scs_overlays_trampoline_lowered:
0x8: {  	[smem:$0x3FAF] =	sst s0  }
0x9: {  	[smem:$0x3FB0] =	sst s1  }
0xa: {  	[smem:$0x3FB1] =	sst s2  }
0xb: {  	[smem:$0x3FB2] =	sst s3  }
0xc: {  	[smem:$0x3FB3] =	sst s4  }
0xd: {  	[smem:$0x3FB4] =	sst s5  }
0xe: {  	[smem:$0x3FB5] =	sst s6  }
0xf: {  	[smem:$0x3FB6] =	sst s7  }
0x10: {  	[smem:$0x3FB7] =	sst s8  }
0x11: {  	[smem:$0x3FB8] =	sst s9;
	s0 =	simm.s32 @!p0 $0x0  }
0x12: {  	s1 =	sld [smem:$0x3F9E];
	s0 =	simm.s32 @p0 $0x1  }
0x13: {  	[smem:$0x3FB9] =	sst s0;
	s0 =	simm.s32 @!p1 $0x0  }
0x14: {  	s2 =	sld [smem:$0x3F9D];
	s0 =	simm.s32 @p1 $0x1  }
0x15: {  	[smem:$0x3FBA] =	sst s0;
	s0 =	simm.s32 @!p2 $0x0  }
0x16: {  	s3 =	sld [smem:$0x3FDB];
	s0 =	simm.s32 @p2 $0x1  }
0x17: {  	s4 =	simm.s32 $0x1BF5;
	[smem:$0x3FBC] =	sst s0  }
0x18: {  	s0 =	sld [smem:$0x3F9F];
	_ =	swait.ge [sflag:s4], $0x0  }
0x19: {  	s7 =	sld [smem:$0x3FA0]  }
0x1a: {  	s8 =	sadd.s32 $0xFFFFE003, lr  }
0x1b: {  	s9 =	sadd.s32 $0xFFFFFEF7, lr;
	s5 =	simm.s32 $0xFFFFFFFF;
	p2 =	slt.u32 s8, $0xFFFFF086  }
0x1c: {  	p1 =	slt.u32 s9, $0xF7A;
	s5 =	simm.s32 @!p2 $0x0  }
0x1d: {  	s5 =	simm.s32 @p1 $0x1;
	p0 =	seq.s32 s7, s2  }
0x1e: {  	s7 =	smul.u32 @!p0 $0xF7A, s2;
	p2 =	seq.s32 @!p0 s5, $0x0  }
0x1f: {  	s9 =	smul.u32 $0xF7A, s1;
	s8 =	simm.s32 @!p0 $0x1BF5;
	p2 =	por !p2, p0  }
0x20: {  	[sflag:s8] =	ssyncset.s32 @!p0 $0xFFFFF086;
	s6 =	sadd.s32 @!p0 s3, s7;
	s7 =	simm.s32 @!p0 $0x108  }
0x21: {  	s3 =	sadd.s32 s3, s9;
	s6 =	sadd.s32 @!p0 $0x88, s6;
	s7 =	simm.s32 @p2 $0x1082  }
0x22: {  	[simem:s7], [sflag:s8] =	dma.local @!p0 [hbm:s6], $0xF7A  }
0x23: {  	s9 =	sor.u32 $0xD0000000, s2;
	s6 =	simm.s32 $0x108;
	_ =	swait.ge @!p0 [sflag:s8], $0x0  }
0x24: {  	s3 =	sadd.s32 $0x88, s3;
	s6 =	simm.s32 @!p1 $0x1082;
	[sflag:s4] =	ssyncset.s32 $0xFFFFF086  }
0x25: {  	[simem:s6], [sflag:s4] =	dma.local [hbm:s3], $0xF7A  }
0x26: {  	[smem:$0x3FA0] =	sst s1;
	(tag) =	ssettag s2;
	_ =	strace s9  }
0x27: {  	s1 =	sld [smem:$0x3FB0]  }
0x28: {  	s2 =	sld [smem:$0x3FB1]  }
0x29: {  	s4 =	sld [smem:$0x3FB3]  }
0x2a: {  	p0 =	seq.s32 s5, $0x0;
	s5 =	sld [smem:$0x3FB4]  }
0x2b: {  	s6 =	sld [smem:$0x3FB5]  }
0x2c: {  	s7 =	sld [smem:$0x3FB6]  }
0x2d: {  	s3 =	simm.s32 $0x108;
	s8 =	sld [smem:$0x3FB7]  }
0x2e: {  	s3 =	simm.s32 @!p0 $0x1082;
	s9 =	sld [smem:$0x3FB8]  }
0x2f: {  	lr =	sadd.s32 s0, s3;
	s0 =	sld [smem:$0x3FAF]  }
0x30: {  	s3 =	sld [smem:$0x3FB2]  }
0x31: {  	[smem:$0x3FBB] =	sst s10  }
0x32: {  	s10 =	sld [smem:$0x3FB9];
	_ =	sdelay $0x3  }
0x33: {  	p0 =	seq.s32 s10, $0x1;
	s10 =	sld [smem:$0x3FBB];
	_ =	sdelay $0x3  }
0x34: {  	[smem:$0x3FBB] =	sst s10  }
0x35: {  	s10 =	sld [smem:$0x3FBA];
	_ =	sdelay $0x3  }
0x36: {  	p1 =	seq.s32 s10, $0x1;
	s10 =	sld [smem:$0x3FBB];
	_ =	sdelay $0x3  }
0x37: {  	[smem:$0x3FBB] =	sst s10  }
0x38: {  	s10 =	sld [smem:$0x3FBC]  }
0x39: {  	_ = 	snop;
	(pc) =	sbr.ind lr, $3  }
0x3a: {  	_ = 	snop  }
0x3b: {  	_ = 	snop  }
0x3c: {  	p2 =	seq.s32 s10, $0x1;
	s10 =	sld [smem:$0x3FBB]  }
0x3d: {  	_ =	shalt  }
0x3e: {  	_ =	shalt  }
0x3f: {  	_ =	shalt  }
0x40: {  	_ =	shalt  }
0x41: {  	_ =	shalt  }
0x42: {  	_ =	shalt  }
0x43: {  	_ =	shalt  }
0x44: {  	_ =	shalt  }
0x45: {  	_ =	shalt  }
0x46: {  	_ =	shalt  }
0x47: {  	_ =	shalt  }
0x48: {  	_ =	shalt  }
0x49: {  	_ =	shalt  }
0x4a: {  	_ =	shalt  }
0x4b: {  	_ =	shalt  }
0x4c: {  	_ =	shalt  }
0x4d: {  	_ =	shalt  }
0x4e: {  	_ =	shalt  }
0x4f: {  	_ =	shalt  }
0x50: {  	_ =	shalt  }
0x51: {  	_ =	shalt  }
0x52: {  	_ =	shalt  }
0x53: {  	_ =	shalt  }
0x54: {  	_ =	shalt  }
0x55: {  	_ =	shalt  }
0x56: {  	_ =	shalt  }
0x57: {  	_ =	shalt  }
0x58: {  	_ =	shalt  }
0x59: {  	_ =	shalt  }
0x5a: {  	_ =	shalt  }
0x5b: {  	_ =	shalt  }
0x5c: {  	_ =	shalt  }
0x5d: {  	_ =	shalt  }
0x5e: {  	_ =	shalt  }
0x5f: {  	_ =	shalt  }
0x60: {  	_ =	shalt  }
0x61: {  	_ =	shalt  }
0x62: {  	_ =	shalt  }
0x63: {  	_ =	shalt  }
0x64: {  	_ =	shalt  }
0x65: {  	_ =	shalt  }
0x66: {  	_ =	shalt  }
0x67: {  	_ =	shalt  }
0x68: {  	_ =	shalt  }
0x69: {  	_ =	shalt  }
0x6a: {  	_ =	shalt  }
0x6b: {  	_ =	shalt  }
0x6c: {  	_ =	shalt  }
0x6d: {  	_ =	shalt  }
0x6e: {  	_ =	shalt  }
0x6f: {  	_ =	shalt  }
0x70: {  	_ =	shalt  }
0x71: {  	_ =	shalt  }
0x72: {  	_ =	shalt  }
0x73: {  	_ =	shalt  }
0x74: {  	_ =	shalt  }
0x75: {  	_ =	shalt  }
0x76: {  	_ =	shalt  }
0x77: {  	_ =	shalt  }
0x78: {  	_ =	shalt  }
0x79: {  	_ =	shalt  }
0x7a: {  	_ =	shalt  }
0x7b: {  	_ =	shalt  }
0x7c: {  	_ =	shalt  }
0x7d: {  	_ =	shalt  }
0x7e: {  	_ =	shalt  }
0x7f: {  	_ =	shalt  }
0x80: {  	_ =	shalt  }
0x81: {  	_ =	shalt  }
0x82: {  	_ =	shalt  }
0x83: {  	_ =	shalt  }
0x84: {  	_ =	shalt  }
0x85: {  	_ =	shalt  }
0x86: {  	_ =	shalt  }
0x87: {  	_ =	shalt  }
.Lfunc_end0:
.L_simem_size_0:
called_computation_lowered:
.L_overlay_start_0:
0x88: {  	s2 =	sld [smem:$0x3FD9]  }
0x89: {  	s3 =	sld [smem:$0x3FFE];
	_ =	sdelay $0x1  }
0x8a: {  	s1 =	srdreg.scid  }
0x8b: {  	s0 =	sand.u32 $0x1, s1  }
0x8c: {  	s17 =	sshll.u32 s0, $0xA;
	s2 =	sadd.s32 s3, s2  }
0x8d: {  	s2 =	sadd.s32 s2, s17  }
0x8e: {  	[smem:$0x3FC7] =	sst s2  }
0x8f: {  	_ = 	snop  }
0x90: {  	s2 =	sld [smem:$0x3FC9]  }
0x91: {  	s18 =	sld [smem:$0x3FD0];
	(tm) =	ssettm $0x1  }
0x92: {  	s4 =	sld [smem:$0x3FFB];
	_ =	sdelay $0x3  }
0x93: {  	_ =	strace s4  }
0x94: {  	s4 =	sld [smem:$0x3FFC];
	_ =	sdelay $0x3  }
0x95: {  	_ =	strace s4  }
0x96: {  	s4 =	sld [smem:$0x3FFD];
	_ =	sdelay $0x3  }
0x97: {  	_ =	strace s4  }
0x98: {  	_ =	strace $0x8FFFFFFF  }
0x99: {  	s19 =	sld [smem:$0x3FDB];
	_ =	sdelay $0x1  }
0x9a: {  	s5 =	simm.s32 $_scs_section_size  }
0x9b: {  	s6 =	simm.s32 $_size__tile_overlayer_lowered;
	s7 =	simm.s32 $_tile_overlayer_lowered  }
0x9c: {  	s22 =	simm.s32 $0x1BFF;
	s21 =	sshll.u32 s7, $0x1;
	s4 =	sadd.s32 s5, s19  }
0x9d: {  	s8 =	simm.s32 $0x0;
	s20 =	sshll.u32 s6, $0x1;
	s6 =	sadd.s32 s21, s4  }
0x9e: {  	[timem:s8], [sflag:s22] =	dma.local [hbm:s6], s20  }
0x9f: {  	_ =	swait.ge [sflag:s22], s20  }
0xa0: {  	s5 =	ssub.s32 $0x0, s20;
	[sflag:s22] =	ssyncset.done $0x0  }
0xa1: {  	[sflag:s22] =	ssyncadd.s32 s5;
	_ =	sdelay $0x1  }
0xa2: {  	s23 =	simm.s32 $0x1B8B  }
0xa3: {  	_ =	swait.ge [sflag:s23], $0x1  }
0xa4: {  	[sflag:s23] =	ssyncset.done $0x0  }
0xa5: {  	s25 =	simm.s32 $0x1B8E;
	s24 =	sld [smem:$0x3FFE];
	[sflag:s23] =	ssyncadd.s32 $0xFFFFFFFF  }
0xa6: {  	s26 =	simm.s32 $execute0_lowered;
	[smem:$0x3FD2] =	sst s25  }
0xa7: {  	s6 =	sshll.u32 s26, $0x1;
	_ =	strace $0x80000046;
	[dreg:$0x1] =	wrdreg $0xFFFFFFFF  }
0xa8: {  	s28 =	simm.s32 $_size_execute0_lowered;
	s4 =	sadd.s32 s4, s6;
	[dreg:$0x0] =	wrdreg $0x0  }
0xa9: {  	s6 =	sshll.u32 s28, $0x1;
	[dreg:$0x2] =	wrdreg s4  }
0xaa: {  	[dreg:$0x3] =	wrdreg s6  }
0xab: {  	[dreg:$0x4] =	wrdreg $0xC0  }
0xac: {  	_ =	task [dreg:s8], $0x5FFFF  }
0xad: {  	[dreg:$0x1] =	wrdreg $0xFFFFFFFF  }
0xae: {  	[dreg:$0x0] =	wrdreg $0x60  }
0xaf: {  	[dreg:$0x2] =	wrdreg s2  }
0xb0: {  	[dreg:$0x3] =	wrdreg s24  }
0xb1: {  	[dreg:$0x4] =	wrdreg s18  }
0xb2: {  	[dreg:$0x5] =	wrdreg $0x9  }
0xb3: {  	_ =	task.clear_ibuf [dreg:s8], $0x6FFFF;
	_ =	strace $0x90000046  }
0xb4: {  	s29 =	simm.s32 $0x9;
	_ =	strace $0x80000048  }
0xb5: {  	_ =	swait.ge [sflag:s29], $0x1  }
0xb6: {  	[sflag:s29] =	ssyncadd.s32 $0xFFFFFFFF  }
0xb7: {  	_ =	strace $0x90000048  }
0xb8: {  	_ =	sfence  }
0xb9: {  	s30 =	sld [smem:$0x0];
	_ =	sdelay $0x2  }
0xba: {  	s31 =	sshll.u32 s1, $0xD;
	s1 =	sshrl.u32 s1, $0x2  }
0xbb: {  	s3 =	sand.u32 $0x4000, s31;
	s1 =	sadd.s32 s1, s30  }
0xbc: {  	s0 =	sor.u32 s3, s0;
	s1 =	sshll.u32 s1, $0x11  }
0xbd: {  	s0 =	sor.u32 s1, s0  }
0xbe: {  	s0 =	sadd.s32 $0x8F2B, s0  }
0xbf: {  	[sflag:s0] =	ssyncadd.remote.s32 $0x1  }
0xc0: {  	_ =	sfence.sel $0xFFFF  }
0xc1: {  	[dreg:$0x0] =	wrdreg $0xFFFFFFFF;
	(pc) =	sbr.abs _section_cstart, $3  }
0xc2: {  	[dreg:$0x1] =	wrdreg $0xFFFFFFFF  }
0xc3: {  	_ =	task.clear_ibuf [dreg:s8], $0x2FFFF;
	_ =	strace $0x9FFFFFFF  }
0xc4: {  	(tm) =	ssettm $0x7FFFFFFF  }
0xc5: {  	_ =	shalt  }
tec
execute0_lowered:
.L_overlay_start_1:
0x0: {  	(tag) =	ssettag $0x1  }
0x1: {  	s0 =	rddreg [dreg:$0x0]  }
0x2: {  	s3 =	rddreg [dreg:$0x1]  }
0x3: {  	s1 =	rddreg [dreg:$0x2]  }
0x4: {  	s2 =	simm.s32 $0x0;
	s4 =	srdreg.scid;
	s6 =	stileid.u32  }
0x5: {  	s17 =	simm.s32 $0x5;
	s19 =	simm.s32 $0x2000;
	s20 =	simm.s32 $0x4000  }
0x6: {  	s21 =	simm.s32 $0x8000;
	s22 =	simm.s32 $0x10000;
	s23 =	simm.s32 $0x3  }
0x7: {  	s28 =	simm.s32 $0x0;
	[smem:$0x7FF] =	sst s2;
	s5 =	sadd.s32 $0xA00, s3  }
0x8: {  	s4 =	sand.u32 $0x1, s4;
	s6 =	sshll.u32 s6, $0x8;
	s3 =	sadd.s32 $0xC00, s3  }
0x9: {  	s8 =	sadd.s32 $0x400, s1;
	_ =	strace $0x80000047;
	s24 =	ssub.s32 $0x2, s4  }
0xa: {  	[dreg:$0x4] =	wrdreg s5;
	s4 =	sshll.u32 s4, $0x7;
	s25 =	sshrl.u32 s24, $0x1  }
0xb: {  	[dreg:$0x5] =	wrdreg s3;
	s6 =	sor.u32 s4, s6;
	s3 =	ssub.s32 s24, s25  }
0xc: {  	s4 =	sshll.u32 s6, $0xD;
	s26 =	sshll.u32 s6, $0x8;
	s12 =	sor.u32 $0x8, s6  }
.Ltmp0:
0xd: {  	s24 =	simm.s32 $0x1;
	s7 =	sadd.s32 s1, s4;
	(pc) =	sbr.rel .LBB2_1-.Ltmp0, $4  }
0xe: {  	v0 =	vimm.f32 $0.0e+00;
	v1 =	vlaneseq.u32;
	s25 =	simm.s32 $0x2;
	s29 =	sadd.s32 s4, s8;
	[dreg:$0x6] =	wrdreg s7  }
0xf: {  	v2 =	vimm.s32 $0x0;
	v10 =	vimm.f32 $1.000000000e+00;
	v3 =	vor.u32 $0x10, v1;
	s9 =	sadd.s32 s0, s26;
	s31 =	smax.u32 s3, $0x1;
	[dreg:$0x7] =	wrdreg s29  }
0x10: {  	v4 =	vor.u32 $0x20, v1;
	v5 =	vor.u32 $0x30, v1;
	v6 =	vor.u32 $0x40, v1;
	s26 =	simm.s32 $0x4;
	s30 =	sadd.s32 $0x800, s9;
	[dreg:$0x9] =	wrdreg s31  }
0x11: {  	v7 =	vor.u32 $0x50, v1;
	v8 =	vor.u32 $0x60, v1;
	v9 =	vor.u32 $0x70, v1;
	s14 =	sadd.s32 $0x1000, s9;
	s15 =	sadd.s32 $0x1800, s9;
	[dreg:$0x8] =	wrdreg s30  }
.LBB2_28:
0x12: {  	_ =	swait.ge [sflag:s24], $0x8000  }
0x13: {  	[sflag:s24] =	ssyncset.done $0x0  }
0x14: {  	[sflag:s24] =	ssyncadd.s32 $0xFFFF8000  }
0x15: {  	_ =	swait.ge [sflag:s25], $0x8000  }
0x16: {  	s28 =	sadd.s32 $0x1, s28;
	s0 =	rddreg [dreg:$0x9]  }
0x17: {  	p0 =	sne.s32 s28, s0  }
.Ltmp1:
0x18: {  	_ = 	snop;
	(pc) =	sbr.rel @!p0 .LBB2_29-.Ltmp1, $3  }
0x19: {  	_ =	sdelay $0x1  }
0x1a: {  	[sflag:s25] =	ssyncset.done $0x0  }
0x1b: {  	[sflag:s25] =	ssyncadd.s32 $0xFFFF8000  }
.LBB2_1:
0x1c: {  	s0 =	rddreg [dreg:$0x4];
	s3 =	simm.s32 $0x18800  }
0x1d: {  	[tilespmem:s3], [sflag:$0x5] =	stream.linear.gather [hbm4b:s0+s2], $0x400, $0x38;
	[tilespmem:$0x19000] =	vst v63  }
0x1e: {  	_ =	swait.ge [sflag:s17], $0x400  }
0x1f: {  	s16 =	simm.s32 $0x18C00;
	s18 =	simm.s32 $0x0;
	[sflag:s17] =	ssyncset.done $0x0  }
0x20: {  	s29 =	sand.u32 $0x1C00, s2;
	s13 =	rddreg [dreg:$0x5];
	[sflag:s17] =	ssyncadd.s32 $0xFFFFFC00  }
0x21: {  	[tilespmem:s16], [sflag:$0x5] =	stream.linear.gather [hbm4b:s13+s2], $0x400, $0x38;
	[tilespmem:$0x19000] =	vst v63  }
0x22: {  	s4 =	simm.s32 $0x0;
	s0 =	sand.u32 $0x6000, s18;
	_ =	swait.ge [sflag:s17], $0x400  }
0x23: {  	s30 =	sand.u32 $0x380, s4;
	s0 =	sor.u32 s29, s0;
	[sflag:s17] =	ssyncset.done $0x0  }
0x24: {  	s31 =	sand.u32 $0x40, s2;
	s0 =	sor.u32 s30, s0;
	[sflag:s17] =	ssyncadd.s32 $0xFFFFFC00  }
0x25: {  	s4 =	sor.u32 s31, s0;
	v11 =	vld [tilespmem:$0x18800]  }
0x26: {  	s5 =	simm.s32 $0x0;
	s7 =	simm.s32 $0x0;
	v12 =	vld [tilespmem:$0x18C00];
	[tilespmem:s4+$0x10030] =	vst v0  }
0x27: {  	s10 =	simm.s32 $0x0;
	s3 =	simm.s32 $0x18020;
	s0 =	simm.s32 $0x18420;
	[tilespmem:s4+$0x8000] =	vst v0  }
.LBB2_2:
0x28: {  	s5 =	sadd.s32 $0x4, s5;
	[tilespmem:s4+$0x10000] =	vst v0;
	s7 =	sadd.s32 $0x200, s7  }
0x29: {  	s10 =	sadd.s32 $0x40, s10;
	s11 =	sshll.u32 s5, $0x4;
	p0 =	slt.u32 s5, $0x7FC;
	[tilespmem:s4+$0x8010] =	vst v0  }
0x2a: {  	s13 =	sand.u32 $0x1C00, s7;
	s16 =	sshll.u32 s5, $0x1;
	s11 =	sand.u32 $0x6000, s11;
	[tilespmem:s4+$0x10010] =	vst v0  }
.Ltmp2:
0x2b: {  	s11 =	sor.u32 s13, s11;
	s13 =	sand.u32 $0x380, s16;
	[tilespmem:s4+$0x8020] =	vst v0;
	(pc) =	sbr.rel @p0 .LBB2_2-.Ltmp2, $4  }
0x2c: {  	s16 =	sand.u32 $0x40, s10;
	s11 =	sor.u32 s13, s11;
	[tilespmem:s4+$0x10020] =	vst v0  }
0x2d: {  	[tilespmem:s4+$0x8030] =	vst v0;
	s4 =	sor.u32 s16, s11  }
0x2e: {  	[tilespmem:s4+$0x10030] =	vst v0  }
0x2f: {  	[tilespmem:s4+$0x8000] =	vst v0  }
0x30: {  	[tilespmem:s4+$0x10000] =	vst v0  }
0x31: {  	[tilespmem:s4+$0x8010] =	vst v0  }
0x32: {  	[tilespmem:s4+$0x10010] =	vst v0  }
0x33: {  	[tilespmem:s4+$0x8020] =	vst v0  }
0x34: {  	[tilespmem:s4+$0x10020] =	vst v0  }
0x35: {  	[tilespmem:s4+$0x8030] =	vst v0  }
0x36: {  	[tilespmem:s3+$0xFFFFFFF0] =	vst v2  }
0x37: {  	[tilespmem:s3+$0x0] =	vst v2  }
0x38: {  	[tilespmem:s3+$0x10] =	vst v2  }
0x39: {  	[tilespmem:s3+$0xFFFFFFE0] =	vst v2  }
0x3a: {  	[tilespmem:s0+$0xFFFFFFF0] =	vst v2  }
0x3b: {  	[tilespmem:s0+$0x0] =	vst v2  }
0x3c: {  	[tilespmem:s0+$0x10] =	vst v2  }
0x3d: {  	s4 =	simm.s32 $0x18060;
	s3 =	simm.s32 $0x0;
	[tilespmem:s0+$0xFFFFFFE0] =	vst v2  }
.LBB2_4:
0x3e: {  	[tilespmem:s4+$0xFFFFFFF0] =	vst v2;
	s0 =	sadd.s32 $0x40, s0  }
0x3f: {  	s3 =	sadd.s32 $0x4, s3;
	[tilespmem:s0+$0xFFFFFFF0] =	vst v2  }
0x40: {  	p0 =	slt.u32 s3, $0x3C;
	[tilespmem:s4+$0x0] =	vst v2  }
.Ltmp3:
0x41: {  	[tilespmem:s0+$0x0] =	vst v2;
	(pc) =	sbr.rel @p0 .LBB2_4-.Ltmp3, $4  }
0x42: {  	[tilespmem:s4+$0x10] =	vst v2  }
0x43: {  	[tilespmem:s0+$0x10] =	vst v2  }
0x44: {  	[tilespmem:s4+$0xFFFFFFE0] =	vst v2  }
0x45: {  	s4 =	sadd.s32 $0x40, s4;
	[tilespmem:s0+$0xFFFFFFE0] =	vst v2  }
0x46: {  	v12 =	vsub.f32 v12, v11;
	_ =	sdelay $0x1  }
0x47: {  	v12 =	vadd.f32 $9.999999970e-07, v12;
	_ =	sdelay $0x1  }
0x48: {  	(erf) = vrcp.f32 v12;
	_ =	sdelay $0x1  }
0x49: {  	s0 =	rddreg [dreg:$0x6]  }
0x4a: {  	[hbm4b:s0+s19] =	stream.strided.scatter [tilespmem:s21], [sflag:$0x1], $0x8000, s20, s19, $0x38;
	[tilespmem:$0x19000] =	vst v63  }
0x4b: {  	s30 =	rddreg [dreg:$0x7]  }
0x4c: {  	[hbm4b:s30+s19] =	stream.strided.scatter [tilespmem:s22], [sflag:$0x2], $0x8000, s20, s19, $0x38;
	[tilespmem:$0x19000] =	vst v63  }
0x4d: {  	s29 =	simm.s32 $0x0  }
0x4e: {  	[tilespmem:s29], [sflag:$0x3] =	stream.linear.gather [hbm4b:s9+s29], $0x4000, $0x38;
	[tilespmem:$0x19000] =	vst v63  }
0x4f: {  	s31 =	rddreg [dreg:$0x8]  }
0x50: {  	[tilespmem:s20], [sflag:$0x4] =	stream.linear.gather [hbm4b:s31+s29], $0x4000, $0x38;
	v12 =	vpop (erf);
	[tilespmem:$0x19000] =	vst v63  }
.LBB2_6:
0x51: {  	_ =	swait.ge [sflag:s23], $0x4000;
	s30 =	sshll.u32 s29, $0x4  }
0x52: {  	s3 =	simm.s32 $0x40;
	s16 =	simm.s32 $0x2070;
	[sflag:s23] =	ssyncset.done $0x0  }
0x53: {  	s31 =	simm.s32 $0x0;
	s0 =	sadd.s32 s6, s30;
	[sflag:s23] =	ssyncadd.s32 $0xFFFFC000  }
.LBB2_7:
0x54: {  	_ =	swait.ge [sflag:s24], $0x8000  }
0x55: {  	[sflag:s24] =	ssyncset.done $0x0  }
0x56: {  	s4 =	simm.s32 $0x18040;
	[sflag:s24] =	ssyncadd.s32 $0xFFFF8000  }
0x57: {  	v13 =	vld [tilespmem:s4+$0x30]  }
0x58: {  	v14 =	vld [tilespmem:s4+$0xFFFFFFD0]  }
0x59: {  	v17 =	vld [tilespmem:s4+$0xFFFFFFE0]  }
0x5a: {  	s7 =	simm.s32 $0x0;
	v18 =	vld [tilespmem:s4+$0xFFFFFFF0]  }
0x5b: {  	v15 =	vmov s7;
	v22 =	vld [tilespmem:s4+$0x20]  }
0x5c: {  	v15 =	vshrl.u32 v15, $0x7;
	v23 =	vld [tilespmem:s4+$0xFFFFFFC0]  }
0x5d: {  	v15 =	vshll.u32 v15, $0xA;
	v19 =	vld [tilespmem:s4+$0x0]  }
0x5e: {  	v16 =	vbroadcast v15, $0x0;
	v20 =	vshll.u32 v13, $0xA  }
0x5f: {  	v15 =	vld [tilespmem:s4+$0x10];
	v21 =	vshll.u32 v14, $0xA;
	v13 =	vshll.u32 v13, $0x7;
	v24 =	vshll.u32 v17, $0xA  }
0x60: {  	v25 =	vshll.u32 v18, $0xA;
	v27 =	vshll.u32 v14, $0x7;
	v14 =	vshll.u32 v22, $0xA  }
0x61: {  	v28 =	vshll.u32 v23, $0xA;
	v23 =	vshll.u32 v23, $0x7;
	v63 =	vshll.u32 v17, $0x7  }
0x62: {  	v30 =	vshll.u32 v18, $0x7;
	v31 =	vshll.u32 v19, $0x7;
	v33 =	vshll.u32 v22, $0x7  }
0x63: {  	v20 =	vand.u32 $0xFFFFE000, v20;
	v13 =	vand.u32 $0x380, v13;
	v21 =	vand.u32 $0xFFFFE000, v21  }
0x64: {  	v29 =	vand.u32 $0xFFFFE000, v14;
	v14 =	vand.u32 $0xFFFFE000, v28;
	v32 =	vshll.u32 v15, $0x7  }
0x65: {  	v23 =	vand.u32 $0x380, v23;
	v22 =	vand.u32 $0x380, v30;
	v20 =	vadd.s32 v16, v20  }
0x66: {  	v34 =	vor.u32 v14, v16;
	v18 =	vadd.s32 v16, v29;
	v13 =	vor.u32 v13, v20  }
0x67: {  	v20 =	vand.u32 $0xFFFFE000, v24;
	v24 =	vshll.u32 v19, $0xA;
	v26 =	vor.u32 v9, v13  }
0x68: {  	v19 =	vadd.s32 v16, v21;
	v21 =	vand.u32 $0x380, v27;
	v13 =	vand.u32 $0xFFFFE000, v25  }
0x69: {  	v24 =	vand.u32 $0xFFFFE000, v24;
	v25 =	vshll.u32 v15, $0xA;
	v15 =	vadd.s32 v16, v20  }
0x6a: {  	s5 =	sadd.s32 s0, s31;
	v20 =	vand.u32 $0x380, v31;
	v25 =	vand.u32 $0xFFFFE000, v25;
	v17 =	vadd.s32 v16, v13  }
0x6b: {  	s18 =	sshll.u32 s5, $0xD;
	v14 =	vadd.s32 v16, v24;
	v24 =	vor.u32 v23, v34;
	v23 =	vand.u32 $0x380, v33  }
0x6c: {  	s10 =	simm.s32 $0x0;
	s11 =	simm.s32 $0x180C0;
	s5 =	sadd.s32 s1, s18;
	v13 =	vadd.s32 v16, v25;
	v25 =	vand.u32 $0x380, v63;
	[tilespmem:v26+s21+$0x0] =	vst.idx.msk $0xffff, v0;
	v26 =	vand.u32 $0x380, v32  }
.LBB2_8:
0x6d: {  	v27 =	vld [tilespmem:s11+$0x30];
	s10 =	sadd.s32 $0x8, s10;
	v19 =	vor.u32 v21, v19;
	v15 =	vor.u32 v25, v15;
	v17 =	vor.u32 v22, v17  }
0x6e: {  	v14 =	vor.u32 v20, v14;
	v13 =	vor.u32 v26, v13;
	v18 =	vor.u32 v23, v18;
	s7 =	sadd.s32 $0x80, s7;
	v21 =	vld [tilespmem:s11+$0xFFFFFFD0];
	p0 =	slt.u32 s10, $0x38  }
0x6f: {  	v23 =	vor.u32 v1, v24;
	v20 =	vmov s7;
	v19 =	vor.u32 v3, v19;
	v22 =	vld [tilespmem:s11+$0xFFFFFFE0]  }
0x70: {  	v15 =	vor.u32 v4, v15;
	v17 =	vor.u32 v5, v17;
	v20 =	vshrl.u32 v20, $0x7;
	v24 =	vld [tilespmem:s11+$0xFFFFFFF0]  }
0x71: {  	v14 =	vor.u32 v6, v14;
	v13 =	vor.u32 v7, v13;
	v20 =	vshll.u32 v20, $0xA;
	v25 =	vld [tilespmem:s11+$0x0]  }
0x72: {  	v18 =	vor.u32 v8, v18;
	v20 =	vbroadcast v20, $0x0;
	v26 =	vld [tilespmem:s11+$0x10];
	v28 =	vshll.u32 v27, $0xA  }
0x73: {  	v27 =	vshll.u32 v27, $0x7;
	v29 =	vshll.u32 v21, $0xA;
	v30 =	vld [tilespmem:s11+$0x20];
	v28 =	vand.u32 $0xFFFFE000, v28  }
0x74: {  	v27 =	vand.u32 $0x380, v27;
	v31 =	vld [tilespmem:s11+$0xFFFFFFC0];
	v32 =	vshll.u32 v22, $0xA;
	v28 =	vadd.s32 v20, v28;
	[tilespmem:v23+s21+$0x0] =	vst.idx.msk $0xffff, v0  }
0x75: {  	v23 =	vand.u32 $0xFFFFE000, v29;
	v29 =	vshll.u32 v24, $0xA;
	v27 =	vor.u32 v27, v28;
	[tilespmem:v19+s21+$0x0] =	vst.idx.msk $0xffff, v0  }
0x76: {  	v28 =	vand.u32 $0xFFFFE000, v32;
	v19 =	vshll.u32 v25, $0xA;
	v27 =	vor.u32 v9, v27;
	[tilespmem:v15+s21+$0x0] =	vst.idx.msk $0xffff, v0  }
0x77: {  	v29 =	vand.u32 $0xFFFFE000, v29;
	v32 =	vand.u32 $0xFFFFE000, v19;
	v15 =	vshll.u32 v26, $0xA;
	[tilespmem:v17+s21+$0x0] =	vst.idx.msk $0xffff, v0  }
0x78: {  	v21 =	vshll.u32 v21, $0x7;
	v33 =	vand.u32 $0xFFFFE000, v15;
	v15 =	vshll.u32 v30, $0xA;
	[tilespmem:v14+s21+$0x0] =	vst.idx.msk $0xffff, v0  }
0x79: {  	v14 =	vshll.u32 v31, $0xA;
	v31 =	vshll.u32 v31, $0x7;
	v34 =	vand.u32 $0xFFFFE000, v15;
	[tilespmem:v13+s21+$0x0] =	vst.idx.msk $0xffff, v0  }
0x7a: {  	v22 =	vshll.u32 v22, $0x7;
	v24 =	vshll.u32 v24, $0x7;
	v13 =	vand.u32 $0xFFFFE000, v14;
	[tilespmem:v18+s21+$0x0] =	vst.idx.msk $0xffff, v0  }
0x7b: {  	v35 =	vshll.u32 v25, $0x7;
	v26 =	vshll.u32 v26, $0x7;
	v30 =	vshll.u32 v30, $0x7;
	[tilespmem:v27+s21+$0x0] =	vst.idx.msk $0xffff, v0  }
.Ltmp4:
0x7c: {  	v19 =	vadd.s32 v20, v23;
	v15 =	vadd.s32 v20, v28;
	v27 =	vor.u32 v13, v20;
	(pc) =	sbr.rel @p0 .LBB2_8-.Ltmp4, $4  }
0x7d: {  	v17 =	vadd.s32 v20, v29;
	v14 =	vadd.s32 v20, v32;
	v13 =	vadd.s32 v20, v33  }
0x7e: {  	v21 =	vand.u32 $0x380, v21;
	v23 =	vand.u32 $0x380, v31;
	v18 =	vadd.s32 v20, v34  }
0x7f: {  	v25 =	vand.u32 $0x380, v22;
	v22 =	vand.u32 $0x380, v24;
	v20 =	vand.u32 $0x380, v35  }
0x80: {  	s11 =	sadd.s32 $0x80, s11;
	v26 =	vand.u32 $0x380, v26;
	v24 =	vor.u32 v23, v27;
	v23 =	vand.u32 $0x380, v30  }
0x81: {  	v19 =	vor.u32 v21, v19;
	v21 =	vor.u32 v1, v24  }
0x82: {  	v15 =	vor.u32 v25, v15;
	v19 =	vor.u32 v3, v19  }
0x83: {  	v17 =	vor.u32 v22, v17;
	v15 =	vor.u32 v4, v15  }
0x84: {  	v14 =	vor.u32 v20, v14;
	v17 =	vor.u32 v5, v17  }
0x85: {  	v13 =	vor.u32 v26, v13;
	v14 =	vor.u32 v6, v14  }
0x86: {  	v18 =	vor.u32 v23, v18;
	v13 =	vor.u32 v7, v13;
	[tilespmem:v21+s21+$0x0] =	vst.idx.msk $0xffff, v0  }
0x87: {  	v18 =	vor.u32 v8, v18;
	[tilespmem:v19+s21+$0x0] =	vst.idx.msk $0xffff, v0  }
0x88: {  	[tilespmem:v15+s21+$0x0] =	vst.idx.msk $0xffff, v0  }
0x89: {  	[tilespmem:v17+s21+$0x0] =	vst.idx.msk $0xffff, v0  }
0x8a: {  	[tilespmem:v14+s21+$0x0] =	vst.idx.msk $0xffff, v0  }
0x8b: {  	[tilespmem:v13+s21+$0x0] =	vst.idx.msk $0xffff, v0  }
0x8c: {  	[tilespmem:v18+s21+$0x0] =	vst.idx.msk $0xffff, v0  }
0x8d: {  	v13 =	vld [tilespmem:s3+$0x30]  }
0x8e: {  	v14 =	vld [tilespmem:s3+$0xFFFFFFD0]  }
0x8f: {  	v15 =	vld [tilespmem:s3+$0xFFFFFFE0]  }
0x90: {  	v17 =	vld [tilespmem:s3+$0xFFFFFFF0]  }
0x91: {  	v18 =	vld [tilespmem:s3+$0x0]  }
0x92: {  	s13 =	sadd.s32 $0x400, s3;
	v19 =	vld [tilespmem:s3+$0xFFFFFFC0]  }
0x93: {  	v37 =	vld [tilespmem:s13+$0x30]  }
0x94: {  	v20 =	vld [tilespmem:s3+$0x10]  }
0x95: {  	v21 =	vld [tilespmem:s3+$0x20];
	v13 =	vsub.f32 v13, v11;
	v14 =	vsub.f32 v14, v11  }
0x96: {  	v15 =	vsub.f32 v15, v11;
	v17 =	vsub.f32 v17, v11  }
0x97: {  	v18 =	vsub.f32 v18, v11;
	v19 =	vsub.f32 v19, v11;
	v13 =	vmul.f32 v13, v12  }
0x98: {  	v37 =	vsub.f32 v37, v11;
	v14 =	vmul.f32 v14, v12;
	v15 =	vmul.f32 v15, v12  }
0x99: {  	v22 =	vmul.f32 v17, v12;
	v17 =	vsub.f32 v20, v11;
	v19 =	vmul.f32 v19, v12  }
0x9a: {  	v20 =	vsub.f32 v21, v11;
	v18 =	vmul.f32 v18, v12;
	v13 =	vsub.f32 $1.000000000e+00, v13  }
0x9b: {  	v37 =	vmul.f32 v37, v12;
	v14 =	vsub.f32 $1.000000000e+00, v14;
	v19 =	vsub.f32 $1.000000000e+00, v19  }
0x9c: {  	v39 =	vld [tilespmem:s13+$0xFFFFFFE0];
	v15 =	vsub.f32 $1.000000000e+00, v15;
	v21 =	vmul.f32 v17, v12;
	v20 =	vmul.f32 v20, v12  }
0x9d: {  	v40 =	vld [tilespmem:s13+$0x0];
	v18 =	vsub.f32 $1.000000000e+00, v18;
	v13 =	vmul.f32 $3.100000000e+01, v13;
	v19 =	vmul.f32 $3.100000000e+01, v19  }
0x9e: {  	v21 =	vsub.f32 $1.000000000e+00, v21;
	v14 =	vmul.f32 $3.100000000e+01, v14;
	v15 =	vmul.f32 $3.100000000e+01, v15  }
0x9f: {  	s10 =	simm.s32 $0x80;
	v20 =	vsub.f32 $1.000000000e+00, v20;
	v18 =	vmul.f32 $3.100000000e+01, v18;
	v13 =	vtrunc.f32 v13  }
0xa0: {  	v53 =	vmov s10;
	v21 =	vmul.f32 $3.100000000e+01, v21;
	v19 =	vtrunc.f32 v19  }
0xa1: {  	v50 =	vsub.f32 v39, v11;
	v20 =	vmul.f32 $3.100000000e+01, v20;
	v14 =	vtrunc.f32 v14  }
0xa2: {  	v51 =	vsub.f32 v40, v11;
	v15 =	vtrunc.f32 v15;
	v18 =	vtrunc.f32 v18  }
0xa3: {  	v52 =	vsub.f32 $1.000000000e+00, v37;
	v17 =	vcvt.f32.s32 v13;
	v25 =	vcvt.f32.s32 v14  }
0xa4: {  	v13 =	vsub.f32 $1.000000000e+00, v22;
	v24 =	vcvt.f32.s32 v15;
	v15 =	vcvt.f32.s32 v18  }
0xa5: {  	v37 =	vshrl.u32 v53, $0x7;
	v26 =	vtrunc.f32 v21;
	v20 =	vtrunc.f32 v20  }
0xa6: {  	v37 =	vshll.u32 v37, $0xA;
	v21 =	vcvt.f32.s32 v19;
	v13 =	vmul.f32 $3.100000000e+01, v13  }
0xa7: {  	v22 =	vshll.u32 v17, $0xA;
	v23 =	vshll.u32 v17, $0x7;
	v18 =	vshll.u32 v25, $0xA  }
0xa8: {  	v14 =	vcvt.f32.s32 v20;
	v27 =	vshll.u32 v15, $0xA;
	v31 =	vshll.u32 v25, $0x7  }
0xa9: {  	v32 =	vshll.u32 v24, $0x7;
	v34 =	vshll.u32 v15, $0x7;
	v22 =	vand.u32 $0xFFFFE000, v22  }
0xaa: {  	v23 =	vand.u32 $0x380, v23;
	v18 =	vand.u32 $0xFFFFE000, v18;
	v27 =	vand.u32 $0xFFFFE000, v27  }
0xab: {  	v38 =	vld [tilespmem:s13+$0xFFFFFFD0];
	v30 =	vshll.u32 v21, $0x7;
	v31 =	vand.u32 $0x380, v31;
	v32 =	vand.u32 $0x380, v32  }
0xac: {  	v48 =	vld [tilespmem:s13+$0x10];
	v34 =	vand.u32 $0x380, v34;
	v22 =	vadd.s32 v16, v22;
	v13 =	vtrunc.f32 v13  }
0xad: {  	v29 =	vshll.u32 v14, $0xA;
	v36 =	vshll.u32 v14, $0x7;
	v18 =	vadd.s32 v16, v18  }
0xae: {  	v27 =	vadd.s32 v16, v27;
	v30 =	vand.u32 $0x380, v30;
	v22 =	vor.u32 v23, v22  }
0xaf: {  	v23 =	vshll.u32 v21, $0xA;
	v29 =	vand.u32 $0xFFFFE000, v29;
	v47 =	vand.u32 $0x380, v36  }
0xb0: {  	v18 =	vor.u32 v31, v18;
	v31 =	vsub.f32 v38, v11;
	v27 =	vor.u32 v34, v27  }
0xb1: {  	v36 =	vsub.f32 v48, v11;
	v34 =	vmul.f32 v51, v12;
	v19 =	vor.u32 v9, v22  }
0xb2: {  	v22 =	vcvt.f32.s32 v13;
	v13 =	vcvt.f32.s32 v26;
	v26 =	vshll.u32 v24, $0xA  }
0xb3: {  	v23 =	vand.u32 $0xFFFFE000, v23;
	v57 =	vor.u32 v3, v18;
	v59 =	vor.u32 v6, v27  }
0xb4: {  	v49 =	vld [tilespmem:s13+$0x20];
	v26 =	vand.u32 $0xFFFFE000, v26;
	v23 =	vor.u32 v23, v16;
	v36 =	vmul.f32 v36, v12  }
0xb5: {  	v34 =	vsub.f32 $1.000000000e+00, v34;
	v20 =	vshll.u32 v22, $0xA;
	v28 =	vshll.u32 v13, $0xA  }
0xb6: {  	v33 =	vshll.u32 v22, $0x7;
	v35 =	vshll.u32 v13, $0x7;
	v26 =	vadd.s32 v16, v26  }
0xb7: {  	v23 =	vor.u32 v30, v23;
	v20 =	vand.u32 $0xFFFFE000, v20;
	v28 =	vand.u32 $0xFFFFE000, v28  }
0xb8: {  	v33 =	vand.u32 $0x380, v33;
	v30 =	vand.u32 $0x380, v35;
	v26 =	vor.u32 v32, v26  }
0xb9: {  	v32 =	vsub.f32 v49, v11;
	v35 =	vmul.f32 $3.100000000e+01, v52;
	v36 =	vsub.f32 $1.000000000e+00, v36  }
0xba: {  	v34 =	vmul.f32 $3.100000000e+01, v34;
	v23 =	vor.u32 v1, v23;
	v28 =	vadd.s32 v16, v28  }
0xbb: {  	v20 =	vadd.s32 v16, v20;
	v16 =	vadd.s32 v16, v29;
	v28 =	vor.u32 v30, v28  }
0xbc: {  	v29 =	vld [tilespmem:s13+$0xFFFFFFF0];
	v30 =	vmul.f32 v31, v12;
	v31 =	vor.u32 v47, v16;
	v16 =	vmul.f32 v50, v12  }
0xbd: {  	v33 =	vor.u32 v33, v20;
	v32 =	vmul.f32 v32, v12;
	v35 =	vtrunc.f32 v35  }
0xbe: {  	v20 =	vld [tilespmem:s13+$0xFFFFFFC0];
	v36 =	vmul.f32 $3.100000000e+01, v36;
	v35 =	vcvt.f32.s32 v35;
	v33 =	vor.u32 v5, v33  }
0xbf: {  	v28 =	vor.u32 v7, v28;
	v27 =	vor.u32 v8, v31;
	v30 =	vsub.f32 $1.000000000e+00, v30  }
0xc0: {  	v16 =	vsub.f32 $1.000000000e+00, v16;
	v32 =	vsub.f32 $1.000000000e+00, v32;
	v58 =	vtrunc.f32 v36  }
0xc1: {  	v55 =	vshll.u32 v35, $0xA;
	[tilespmem:v23+s21+$0x0] =	vst.idx.msk $0xffff, v10;
	v23 =	vcvt.f32.s32 v58;
	v29 =	vsub.f32 v29, v11  }
0xc2: {  	v56 =	vshll.u32 v35, $0x7;
	v30 =	vmul.f32 $3.100000000e+01, v30;
	v16 =	vmul.f32 $3.100000000e+01, v16  }
0xc3: {  	v32 =	vmul.f32 $3.100000000e+01, v32;
	v20 =	vsub.f32 v20, v11;
	v29 =	vmul.f32 v29, v12  }
0xc4: {  	v39 =	vand.u32 $0x380, v56;
	v18 =	vtrunc.f32 v30;
	v16 =	vtrunc.f32 v16  }
0xc5: {  	[tilespmem:v19+s21+$0x0] =	vst.idx.msk $0xffff, v10;
	v30 =	vor.u32 v4, v26;
	v32 =	vtrunc.f32 v32;
	v20 =	vmul.f32 v20, v12  }
0xc6: {  	[tilespmem:s4+$0x30] =	vst v17;
	v63 =	vshll.u32 v23, $0xA;
	v18 =	vcvt.f32.s32 v18;
	v17 =	vcvt.f32.s32 v16  }
0xc7: {  	[tilespmem:s4+$0xFFFFFFC0] =	vst v21;
	v21 =	vcvt.f32.s32 v32;
	v29 =	vsub.f32 $1.000000000e+00, v29;
	v54 =	vsub.f32 $1.000000000e+00, v20  }
0xc8: {  	[tilespmem:v33+s21+$0x0] =	vst.idx.msk $0xffff, v10;
	v20 =	vbroadcast v37, $0x0;
	v37 =	vand.u32 $0xFFFFE000, v55;
	v60 =	vshll.u32 v17, $0xA  }
0xc9: {  	[tilespmem:s4+$0xFFFFFFF0] =	vst v22;
	v41 =	vshll.u32 v21, $0xA;
	v22 =	vshll.u32 v21, $0x7;
	v29 =	vmul.f32 $3.100000000e+01, v29  }
0xca: {  	v37 =	vadd.s32 v20, v37;
	v38 =	vmul.f32 $3.100000000e+01, v54;
	[tilespmem:v30+s21+$0x0] =	vst.idx.msk $0xffff, v10;
	v30 =	vshll.u32 v23, $0x7  }
0xcb: {  	v37 =	vor.u32 v39, v37;
	v26 =	vtrunc.f32 v29;
	v29 =	vtrunc.f32 v34  }
0xcc: {  	[tilespmem:s4+$0xFFFFFFE0] =	vst v24;
	v24 =	vand.u32 $0xFFFFE000, v41;
	v37 =	vor.u32 v9, v37;
	v38 =	vtrunc.f32 v38  }
0xcd: {  	v16 =	vcvt.f32.s32 v26;
	v26 =	vcvt.f32.s32 v29;
	v29 =	vshll.u32 v18, $0xA  }
0xce: {  	[tilespmem:v57+s21+$0x0] =	vst.idx.msk $0xffff, v10;
	v39 =	vshll.u32 v18, $0x7;
	v19 =	vcvt.f32.s32 v38;
	v34 =	vand.u32 $0xFFFFE000, v29  }
0xcf: {  	[tilespmem:v59+s21+$0x0] =	vst.idx.msk $0xffff, v10;
	v29 =	vand.u32 $0xFFFFE000, v63;
	v61 =	vshll.u32 v16, $0xA;
	v62 =	vshll.u32 v26, $0xA  }
0xd0: {  	[tilespmem:s4+$0xFFFFFFD0] =	vst v25;
	v32 =	vshll.u32 v16, $0x7;
	v33 =	vshll.u32 v26, $0x7;
	v31 =	vshll.u32 v19, $0xA  }
0xd1: {  	s7 =	simm.s32 $0x180C0;
	v25 =	vand.u32 $0xFFFFE000, v62;
	v38 =	vshll.u32 v19, $0x7;
	v36 =	vand.u32 $0xFFFFE000, v31;
	[tilespmem:v37+s21+$0x0] =	vst.idx.msk $0xffff, v10  }
0xd2: {  	s11 =	simm.s32 $0x8;
	s13 =	sadd.s32 $0x400, s13;
	v31 =	vand.u32 $0xFFFFE000, v61;
	v37 =	vshll.u32 v17, $0x7;
	[tilespmem:s7+$0x30] =	vst v35;
	v35 =	vand.u32 $0xFFFFE000, v60  }
.LBB2_10:
0xd3: {  	v40 =	vld [tilespmem:s13+$0x30];
	v36 =	vor.u32 v36, v20;
	v34 =	vadd.s32 v20, v34;
	v35 =	vadd.s32 v20, v35;
	[tilespmem:s4+$0x0] =	vst v15  }
0xd4: {  	s11 =	sadd.s32 $0x8, s11;
	v31 =	vadd.s32 v20, v31;
	v25 =	vadd.s32 v20, v25;
	v29 =	vadd.s32 v20, v29;
	v15 =	vmovc v26;
	v41 =	vld [tilespmem:s13+$0xFFFFFFD0]  }
0xd5: {  	v38 =	vand.u32 $0x380, v38;
	v39 =	vand.u32 $0x380, v39;
	v20 =	vadd.s32 v20, v24;
	p0 =	slt.u32 s11, $0x38;
	v26 =	vld [tilespmem:s13+$0xFFFFFFE0];
	[tilespmem:v28+s21+$0x0] =	vst.idx.msk $0xffff, v10  }
0xd6: {  	v32 =	vand.u32 $0x380, v32;
	v33 =	vand.u32 $0x380, v33;
	v28 =	vand.u32 $0x380, v37;
	v24 =	vld [tilespmem:s13+$0xFFFFFFF0];
	[tilespmem:s4+$0x10] =	vst v13;
	v13 =	vmovc v23  }
0xd7: {  	v30 =	vand.u32 $0x380, v30;
	v22 =	vand.u32 $0x380, v22;
	v36 =	vor.u32 v38, v36;
	v23 =	vld [tilespmem:s13+$0x0];
	[tilespmem:v27+s21+$0x0] =	vst.idx.msk $0xffff, v10  }
0xd8: {  	v34 =	vor.u32 v39, v34;
	v28 =	vor.u32 v28, v35;
	v27 =	vld [tilespmem:s13+$0x10];
	v37 =	vsub.f32 v40, v11;
	[tilespmem:s4+$0x20] =	vst v14;
	s4 =	smov.u32 s7  }
0xd9: {  	v31 =	vor.u32 v32, v31;
	v25 =	vor.u32 v33, v25;
	v14 =	vmovc v21;
	v35 =	vsub.f32 v41, v11;
	v38 =	vld [tilespmem:s13+$0x20]  }
0xda: {  	v29 =	vor.u32 v30, v29;
	v21 =	vld [tilespmem:s13+$0xFFFFFFC0];
	v26 =	vsub.f32 v26, v11;
	v32 =	vmul.f32 v37, v12  }
0xdb: {  	v22 =	vor.u32 v22, v20;
	v30 =	vmul.f32 v35, v12;
	v24 =	vsub.f32 v24, v11  }
0xdc: {  	v20 =	vmul.f32 v26, v12;
	v23 =	vsub.f32 v23, v11;
	v26 =	vsub.f32 $1.000000000e+00, v32  }
0xdd: {  	v30 =	vsub.f32 $1.000000000e+00, v30;
	v24 =	vmul.f32 v24, v12;
	v27 =	vsub.f32 v27, v11  }
0xde: {  	v23 =	vmul.f32 v23, v12;
	v32 =	vsub.f32 v38, v11;
	v26 =	vmul.f32 $3.100000000e+01, v26  }
0xdf: {  	s10 =	sadd.s32 $0x80, s10;
	v33 =	vsub.f32 $1.000000000e+00, v20;
	v21 =	vsub.f32 v21, v11;
	v27 =	vmul.f32 v27, v12  }
0xe0: {  	v20 =	vmov s10;
	v32 =	vmul.f32 v32, v12;
	v26 =	vtrunc.f32 v26  }
0xe1: {  	v20 =	vshrl.u32 v20, $0x7;
	v21 =	vmul.f32 v21, v12;
	v26 =	vcvt.f32.s32 v26  }
0xe2: {  	v24 =	vsub.f32 $1.000000000e+00, v24;
	v20 =	vshll.u32 v20, $0xA;
	v23 =	vsub.f32 $1.000000000e+00, v23  }
0xe3: {  	v20 =	vbroadcast v20, $0x0;
	v21 =	vsub.f32 $1.000000000e+00, v21;
	v35 =	vshll.u32 v26, $0xA  }
0xe4: {  	v27 =	vsub.f32 $1.000000000e+00, v27;
	v37 =	vshll.u32 v26, $0x7;
	v35 =	vand.u32 $0xFFFFE000, v35  }
0xe5: {  	v32 =	vsub.f32 $1.000000000e+00, v32;
	v37 =	vand.u32 $0x380, v37;
	v35 =	vadd.s32 v20, v35  }
0xe6: {  	v30 =	vmul.f32 $3.100000000e+01, v30;
	v21 =	vmul.f32 $3.100000000e+01, v21;
	v35 =	vor.u32 v37, v35  }
0xe7: {  	v33 =	vmul.f32 $3.100000000e+01, v33;
	v24 =	vmul.f32 $3.100000000e+01, v24;
	v35 =	vor.u32 v9, v35  }
0xe8: {  	v36 =	vor.u32 v1, v36;
	v23 =	vmul.f32 $3.100000000e+01, v23;
	v27 =	vmul.f32 $3.100000000e+01, v27  }
0xe9: {  	v34 =	vor.u32 v3, v34;
	v32 =	vmul.f32 $3.100000000e+01, v32;
	v21 =	vtrunc.f32 v21  }
0xea: {  	v30 =	vtrunc.f32 v30;
	v33 =	vtrunc.f32 v33;
	v37 =	vor.u32 v4, v28  }
0xeb: {  	v39 =	vor.u32 v5, v31;
	v24 =	vtrunc.f32 v24;
	v23 =	vtrunc.f32 v23  }
0xec: {  	v40 =	vor.u32 v6, v25;
	s7 =	sadd.s32 $0x80, s7;
	v31 =	vtrunc.f32 v27;
	v32 =	vtrunc.f32 v32;
	[tilespmem:v35+s21+$0x0] =	vst.idx.msk $0xffff, v10  }
0xed: {  	v25 =	vcvt.f32.s32 v30;
	v28 =	vor.u32 v7, v29;
	v21 =	vcvt.f32.s32 v21;
	[tilespmem:s7+$0x30] =	vst v26  }
0xee: {  	v30 =	vcvt.f32.s32 v24;
	v27 =	vor.u32 v8, v22;
	v29 =	vcvt.f32.s32 v33;
	[tilespmem:v36+s21+$0x0] =	vst.idx.msk $0xffff, v10  }
0xef: {  	v22 =	vshll.u32 v21, $0xA;
	v26 =	vcvt.f32.s32 v23;
	v23 =	vcvt.f32.s32 v31;
	[tilespmem:s4+$0xFFFFFFC0] =	vst v19;
	v19 =	vmovc v21  }
0xf0: {  	v24 =	vshll.u32 v25, $0xA;
	v31 =	vshll.u32 v29, $0xA;
	v21 =	vcvt.f32.s32 v32;
	[tilespmem:v34+s21+$0x0] =	vst.idx.msk $0xffff, v10  }
0xf1: {  	v32 =	vshll.u32 v30, $0xA;
	v33 =	vshll.u32 v26, $0xA;
	v41 =	vshll.u32 v23, $0xA;
	[tilespmem:s4+$0xFFFFFFD0] =	vst v18;
	v18 =	vmovc v25  }
.Ltmp5:
0xf2: {  	v36 =	vand.u32 $0xFFFFE000, v22;
	v34 =	vand.u32 $0xFFFFE000, v24;
	v22 =	vshll.u32 v21, $0xA;
	[tilespmem:v37+s21+$0x0] =	vst.idx.msk $0xffff, v10;
	(pc) =	sbr.rel @p0 .LBB2_10-.Ltmp5, $4  }
0xf3: {  	v35 =	vand.u32 $0xFFFFE000, v31;
	v31 =	vand.u32 $0xFFFFE000, v32;
	v25 =	vand.u32 $0xFFFFE000, v33;
	[tilespmem:s4+$0xFFFFFFE0] =	vst v17;
	v17 =	vmovc v29  }
0xf4: {  	v38 =	vshll.u32 v19, $0x7;
	v24 =	vand.u32 $0xFFFFE000, v22;
	v29 =	vand.u32 $0xFFFFE000, v41;
	[tilespmem:v39+s21+$0x0] =	vst.idx.msk $0xffff, v10  }
0xf5: {  	v32 =	vshll.u32 v30, $0x7;
	v39 =	vshll.u32 v18, $0x7;
	v37 =	vshll.u32 v17, $0x7;
	[tilespmem:s4+$0xFFFFFFF0] =	vst v16;
	v16 =	vmovc v30  }
0xf6: {  	s13 =	sadd.s32 $0x400, s13;
	v33 =	vshll.u32 v26, $0x7;
	v22 =	vshll.u32 v21, $0x7;
	v30 =	vshll.u32 v23, $0x7;
	[tilespmem:v40+s21+$0x0] =	vst.idx.msk $0xffff, v10  }
0xf7: {  	_ =	sdelay $0x1  }
0xf8: {  	v36 =	vor.u32 v36, v20;
	v38 =	vand.u32 $0x380, v38  }
0xf9: {  	v34 =	vadd.s32 v20, v34;
	[tilespmem:s4+$0x0] =	vst v15;
	v15 =	vand.u32 $0x380, v39;
	v36 =	vor.u32 v38, v36  }
0xfa: {  	[tilespmem:v28+s21+$0x0] =	vst.idx.msk $0xffff, v10;
	v15 =	vor.u32 v15, v34;
	v36 =	vor.u32 v1, v36  }
0xfb: {  	[tilespmem:s4+$0x10] =	vst v13;
	v13 =	vor.u32 v3, v15  }
0xfc: {  	v53 =	vadd.s32 v20, v35;
	v54 =	vand.u32 $0x380, v37  }
0xfd: {  	[tilespmem:v27+s21+$0x0] =	vst.idx.msk $0xffff, v10;
	v15 =	vor.u32 v54, v53  }
0xfe: {  	v27 =	vadd.s32 v20, v31;
	v55 =	vand.u32 $0x380, v32;
	[tilespmem:s4+$0x20] =	vst v14;
	v14 =	vor.u32 v4, v15  }
0xff: {  	v15 =	vor.u32 v55, v27;
	[tilespmem:v36+s21+$0x0] =	vst.idx.msk $0xffff, v10  }
0x100: {  	v25 =	vadd.s32 v20, v25;
	v27 =	vand.u32 $0x380, v33;
	v15 =	vor.u32 v5, v15;
	[tilespmem:v13+s21+$0x0] =	vst.idx.msk $0xffff, v10  }
0x101: {  	[tilespmem:s7+$0xFFFFFFC0] =	vst v19;
	v19 =	vor.u32 v27, v25  }
0x102: {  	v13 =	vadd.s32 v20, v29;
	v25 =	vand.u32 $0x380, v30;
	[tilespmem:s7+$0xFFFFFFD0] =	vst v18;
	v19 =	vor.u32 v6, v19  }
0x103: {  	[tilespmem:v14+s21+$0x0] =	vst.idx.msk $0xffff, v10;
	v14 =	vadd.s32 v20, v24;
	v18 =	vand.u32 $0x380, v22;
	v13 =	vor.u32 v25, v13  }
0x104: {  	[tilespmem:s7+$0xFFFFFFE0] =	vst v17;
	v14 =	vor.u32 v18, v14;
	v13 =	vor.u32 v7, v13  }
0x105: {  	[tilespmem:v15+s21+$0x0] =	vst.idx.msk $0xffff, v10;
	v14 =	vor.u32 v8, v14  }
0x106: {  	[tilespmem:s7+$0xFFFFFFF0] =	vst v16  }
0x107: {  	[tilespmem:v19+s21+$0x0] =	vst.idx.msk $0xffff, v10  }
0x108: {  	[tilespmem:s7+$0x0] =	vst v26  }
0x109: {  	[tilespmem:v13+s21+$0x0] =	vst.idx.msk $0xffff, v10  }
0x10a: {  	[tilespmem:v14+s21+$0x0] =	vst.idx.msk $0xffff, v10  }
0x10b: {  	[tilespmem:s7+$0x10] =	vst v23  }
0x10c: {  	[tilespmem:s7+$0x20] =	vst v21  }
0x10d: {  	[hbm4b:s5+s19] =	stream.strided.scatter [tilespmem:s21], [sflag:$0x1], $0x8000, s20, s19, $0x38;
	[tilespmem:$0x19000] =	vst v63  }
0x10e: {  	_ =	swait.ge [sflag:s25], $0x8000  }
0x10f: {  	[sflag:s25] =	ssyncset.done $0x0  }
0x110: {  	s4 =	simm.s32 $0x18440;
	[sflag:s25] =	ssyncadd.s32 $0xFFFF8000  }
0x111: {  	v13 =	vld [tilespmem:s4+$0x30]  }
0x112: {  	v14 =	vld [tilespmem:s4+$0xFFFFFFD0]  }
0x113: {  	v17 =	vld [tilespmem:s4+$0xFFFFFFE0]  }
0x114: {  	s7 =	simm.s32 $0x0;
	v18 =	vld [tilespmem:s4+$0xFFFFFFF0]  }
0x115: {  	v15 =	vmov s7;
	v19 =	vld [tilespmem:s4+$0x0]  }
0x116: {  	v15 =	vshrl.u32 v15, $0x7;
	v22 =	vld [tilespmem:s4+$0x20]  }
0x117: {  	v15 =	vshll.u32 v15, $0xA;
	v23 =	vld [tilespmem:s4+$0xFFFFFFC0]  }
0x118: {  	v16 =	vbroadcast v15, $0x0;
	v15 =	vld [tilespmem:s4+$0x10]  }
0x119: {  	v20 =	vshll.u32 v13, $0xA  }
0x11a: {  	v21 =	vshll.u32 v14, $0xA;
	v13 =	vshll.u32 v13, $0x7;
	v24 =	vshll.u32 v17, $0xA  }
0x11b: {  	v25 =	vshll.u32 v18, $0xA;
	v27 =	vshll.u32 v14, $0x7;
	v14 =	vshll.u32 v22, $0xA  }
0x11c: {  	v56 =	vshll.u32 v23, $0xA;
	v23 =	vshll.u32 v23, $0x7;
	v58 =	vshll.u32 v17, $0x7  }
0x11d: {  	v59 =	vshll.u32 v18, $0x7;
	v60 =	vshll.u32 v19, $0x7;
	v61 =	vshll.u32 v15, $0x7  }
0x11e: {  	v62 =	vshll.u32 v22, $0x7;
	v20 =	vand.u32 $0xFFFFE000, v20;
	v13 =	vand.u32 $0x380, v13  }
0x11f: {  	v21 =	vand.u32 $0xFFFFE000, v21;
	v57 =	vand.u32 $0xFFFFE000, v14;
	v14 =	vand.u32 $0xFFFFE000, v56  }
0x120: {  	v23 =	vand.u32 $0x380, v23;
	v22 =	vand.u32 $0x380, v59;
	v20 =	vadd.s32 v16, v20  }
0x121: {  	v63 =	vor.u32 v14, v16;
	v13 =	vor.u32 v13, v20;
	v20 =	vand.u32 $0xFFFFE000, v24  }
0x122: {  	v24 =	vshll.u32 v19, $0xA;
	v19 =	vadd.s32 v16, v21;
	v26 =	vor.u32 v9, v13  }
0x123: {  	v21 =	vand.u32 $0x380, v27;
	v13 =	vand.u32 $0xFFFFE000, v25;
	v24 =	vand.u32 $0xFFFFE000, v24  }
0x124: {  	v25 =	vshll.u32 v15, $0xA;
	v17 =	vadd.s32 v16, v20;
	v15 =	vadd.s32 v16, v57  }
0x125: {  	v20 =	vand.u32 $0x380, v60;
	v25 =	vand.u32 $0xFFFFE000, v25;
	v18 =	vadd.s32 v16, v13  }
0x126: {  	v14 =	vadd.s32 v16, v24;
	v24 =	vor.u32 v23, v63;
	v23 =	vand.u32 $0x380, v62  }
0x127: {  	s10 =	simm.s32 $0x0;
	s11 =	simm.s32 $0x184C0;
	s5 =	sadd.s32 s18, s8;
	v13 =	vadd.s32 v16, v25;
	v25 =	vand.u32 $0x380, v58;
	[tilespmem:v26+s22+$0x0] =	vst.idx.msk $0xffff, v0;
	v26 =	vand.u32 $0x380, v61  }
.LBB2_12:
0x128: {  	v27 =	vld [tilespmem:s11+$0x30];
	s10 =	sadd.s32 $0x8, s10;
	v19 =	vor.u32 v21, v19;
	v17 =	vor.u32 v25, v17;
	v18 =	vor.u32 v22, v18  }
0x129: {  	v14 =	vor.u32 v20, v14;
	v13 =	vor.u32 v26, v13;
	v15 =	vor.u32 v23, v15;
	s7 =	sadd.s32 $0x80, s7;
	v21 =	vld [tilespmem:s11+$0xFFFFFFD0];
	p0 =	slt.u32 s10, $0x38  }
0x12a: {  	v23 =	vor.u32 v1, v24;
	v20 =	vmov s7;
	v19 =	vor.u32 v3, v19;
	v22 =	vld [tilespmem:s11+$0xFFFFFFE0]  }
0x12b: {  	v17 =	vor.u32 v4, v17;
	v18 =	vor.u32 v5, v18;
	v20 =	vshrl.u32 v20, $0x7;
	v24 =	vld [tilespmem:s11+$0xFFFFFFF0]  }
0x12c: {  	v14 =	vor.u32 v6, v14;
	v13 =	vor.u32 v7, v13;
	v20 =	vshll.u32 v20, $0xA;
	v25 =	vld [tilespmem:s11+$0x0]  }
0x12d: {  	v15 =	vor.u32 v8, v15;
	v20 =	vbroadcast v20, $0x0;
	v26 =	vld [tilespmem:s11+$0x10];
	v28 =	vshll.u32 v27, $0xA  }
0x12e: {  	v27 =	vshll.u32 v27, $0x7;
	v29 =	vshll.u32 v21, $0xA;
	v30 =	vld [tilespmem:s11+$0x20];
	v28 =	vand.u32 $0xFFFFE000, v28  }
0x12f: {  	v27 =	vand.u32 $0x380, v27;
	v31 =	vld [tilespmem:s11+$0xFFFFFFC0];
	v32 =	vshll.u32 v22, $0xA;
	v28 =	vadd.s32 v20, v28;
	[tilespmem:v23+s22+$0x0] =	vst.idx.msk $0xffff, v0  }
0x130: {  	v23 =	vand.u32 $0xFFFFE000, v29;
	v29 =	vshll.u32 v24, $0xA;
	v27 =	vor.u32 v27, v28;
	[tilespmem:v19+s22+$0x0] =	vst.idx.msk $0xffff, v0  }
0x131: {  	v28 =	vand.u32 $0xFFFFE000, v32;
	v19 =	vshll.u32 v25, $0xA;
	v27 =	vor.u32 v9, v27;
	[tilespmem:v17+s22+$0x0] =	vst.idx.msk $0xffff, v0  }
0x132: {  	v29 =	vand.u32 $0xFFFFE000, v29;
	v32 =	vand.u32 $0xFFFFE000, v19;
	v17 =	vshll.u32 v26, $0xA;
	[tilespmem:v18+s22+$0x0] =	vst.idx.msk $0xffff, v0  }
0x133: {  	v21 =	vshll.u32 v21, $0x7;
	v33 =	vand.u32 $0xFFFFE000, v17;
	v17 =	vshll.u32 v30, $0xA;
	[tilespmem:v14+s22+$0x0] =	vst.idx.msk $0xffff, v0  }
0x134: {  	v14 =	vshll.u32 v31, $0xA;
	v31 =	vshll.u32 v31, $0x7;
	v34 =	vand.u32 $0xFFFFE000, v17;
	[tilespmem:v13+s22+$0x0] =	vst.idx.msk $0xffff, v0  }
0x135: {  	v22 =	vshll.u32 v22, $0x7;
	v24 =	vshll.u32 v24, $0x7;
	v13 =	vand.u32 $0xFFFFE000, v14;
	[tilespmem:v15+s22+$0x0] =	vst.idx.msk $0xffff, v0  }
0x136: {  	v35 =	vshll.u32 v25, $0x7;
	v26 =	vshll.u32 v26, $0x7;
	v30 =	vshll.u32 v30, $0x7;
	[tilespmem:v27+s22+$0x0] =	vst.idx.msk $0xffff, v0  }
.Ltmp6:
0x137: {  	v19 =	vadd.s32 v20, v23;
	v17 =	vadd.s32 v20, v28;
	v27 =	vor.u32 v13, v20;
	(pc) =	sbr.rel @p0 .LBB2_12-.Ltmp6, $4  }
0x138: {  	v18 =	vadd.s32 v20, v29;
	v14 =	vadd.s32 v20, v32;
	v13 =	vadd.s32 v20, v33  }
0x139: {  	v21 =	vand.u32 $0x380, v21;
	v23 =	vand.u32 $0x380, v31;
	v15 =	vadd.s32 v20, v34  }
0x13a: {  	v25 =	vand.u32 $0x380, v22;
	v22 =	vand.u32 $0x380, v24;
	v20 =	vand.u32 $0x380, v35  }
0x13b: {  	s11 =	sadd.s32 $0x80, s11;
	v26 =	vand.u32 $0x380, v26;
	v24 =	vor.u32 v23, v27;
	v23 =	vand.u32 $0x380, v30  }
0x13c: {  	v19 =	vor.u32 v21, v19;
	v21 =	vor.u32 v1, v24  }
0x13d: {  	v17 =	vor.u32 v25, v17;
	v19 =	vor.u32 v3, v19  }
0x13e: {  	v18 =	vor.u32 v22, v18;
	v17 =	vor.u32 v4, v17  }
0x13f: {  	v14 =	vor.u32 v20, v14;
	v18 =	vor.u32 v5, v18  }
0x140: {  	v13 =	vor.u32 v26, v13;
	v14 =	vor.u32 v6, v14  }
0x141: {  	v15 =	vor.u32 v23, v15;
	v13 =	vor.u32 v7, v13;
	[tilespmem:v21+s22+$0x0] =	vst.idx.msk $0xffff, v0  }
0x142: {  	v15 =	vor.u32 v8, v15;
	[tilespmem:v19+s22+$0x0] =	vst.idx.msk $0xffff, v0  }
0x143: {  	[tilespmem:v17+s22+$0x0] =	vst.idx.msk $0xffff, v0  }
0x144: {  	[tilespmem:v18+s22+$0x0] =	vst.idx.msk $0xffff, v0  }
0x145: {  	[tilespmem:v14+s22+$0x0] =	vst.idx.msk $0xffff, v0  }
0x146: {  	[tilespmem:v13+s22+$0x0] =	vst.idx.msk $0xffff, v0  }
0x147: {  	[tilespmem:v15+s22+$0x0] =	vst.idx.msk $0xffff, v0  }
0x148: {  	v13 =	vld [tilespmem:s16+$0x0]  }
0x149: {  	v14 =	vld [tilespmem:s16+$0xFFFFFFA0]  }
0x14a: {  	v15 =	vld [tilespmem:s16+$0xFFFFFFB0]  }
0x14b: {  	v17 =	vld [tilespmem:s16+$0xFFFFFFC0]  }
0x14c: {  	v18 =	vld [tilespmem:s16+$0xFFFFFFD0]  }
0x14d: {  	s13 =	sadd.s32 $0x400, s16;
	v19 =	vld [tilespmem:s16+$0xFFFFFF90]  }
0x14e: {  	v37 =	vld [tilespmem:s13+$0x0]  }
0x14f: {  	v20 =	vld [tilespmem:s16+$0xFFFFFFE0]  }
0x150: {  	v21 =	vld [tilespmem:s16+$0xFFFFFFF0];
	v13 =	vsub.f32 v13, v11;
	v14 =	vsub.f32 v14, v11  }
0x151: {  	v15 =	vsub.f32 v15, v11;
	v17 =	vsub.f32 v17, v11  }
0x152: {  	v18 =	vsub.f32 v18, v11;
	v19 =	vsub.f32 v19, v11;
	v13 =	vmul.f32 v13, v12  }
0x153: {  	v37 =	vsub.f32 v37, v11;
	v14 =	vmul.f32 v14, v12;
	v15 =	vmul.f32 v15, v12  }
0x154: {  	v22 =	vmul.f32 v17, v12;
	v17 =	vsub.f32 v20, v11;
	v19 =	vmul.f32 v19, v12  }
0x155: {  	v20 =	vsub.f32 v21, v11;
	v18 =	vmul.f32 v18, v12;
	v13 =	vsub.f32 $1.000000000e+00, v13  }
0x156: {  	v37 =	vmul.f32 v37, v12;
	v14 =	vsub.f32 $1.000000000e+00, v14;
	v19 =	vsub.f32 $1.000000000e+00, v19  }
0x157: {  	v39 =	vld [tilespmem:s13+$0xFFFFFFB0];
	v15 =	vsub.f32 $1.000000000e+00, v15;
	v21 =	vmul.f32 v17, v12;
	v20 =	vmul.f32 v20, v12  }
0x158: {  	v40 =	vld [tilespmem:s13+$0xFFFFFFD0];
	v18 =	vsub.f32 $1.000000000e+00, v18;
	v13 =	vmul.f32 $3.100000000e+01, v13;
	v19 =	vmul.f32 $3.100000000e+01, v19  }
0x159: {  	v21 =	vsub.f32 $1.000000000e+00, v21;
	v14 =	vmul.f32 $3.100000000e+01, v14;
	v15 =	vmul.f32 $3.100000000e+01, v15  }
0x15a: {  	s10 =	simm.s32 $0x80;
	v20 =	vsub.f32 $1.000000000e+00, v20;
	v18 =	vmul.f32 $3.100000000e+01, v18;
	v13 =	vtrunc.f32 v13  }
0x15b: {  	v53 =	vmov s10;
	v21 =	vmul.f32 $3.100000000e+01, v21;
	v19 =	vtrunc.f32 v19  }
0x15c: {  	v50 =	vsub.f32 v39, v11;
	v20 =	vmul.f32 $3.100000000e+01, v20;
	v14 =	vtrunc.f32 v14  }
0x15d: {  	v51 =	vsub.f32 v40, v11;
	v15 =	vtrunc.f32 v15;
	v18 =	vtrunc.f32 v18  }
0x15e: {  	v52 =	vsub.f32 $1.000000000e+00, v37;
	v17 =	vcvt.f32.s32 v13;
	v25 =	vcvt.f32.s32 v14  }
0x15f: {  	v13 =	vsub.f32 $1.000000000e+00, v22;
	v24 =	vcvt.f32.s32 v15;
	v15 =	vcvt.f32.s32 v18  }
0x160: {  	v37 =	vshrl.u32 v53, $0x7;
	v26 =	vtrunc.f32 v21;
	v20 =	vtrunc.f32 v20  }
0x161: {  	v37 =	vshll.u32 v37, $0xA;
	v21 =	vcvt.f32.s32 v19;
	v13 =	vmul.f32 $3.100000000e+01, v13  }
0x162: {  	v22 =	vshll.u32 v17, $0xA;
	v23 =	vshll.u32 v17, $0x7;
	v18 =	vshll.u32 v25, $0xA  }
0x163: {  	v14 =	vcvt.f32.s32 v20;
	v27 =	vshll.u32 v15, $0xA;
	v31 =	vshll.u32 v25, $0x7  }
0x164: {  	v32 =	vshll.u32 v24, $0x7;
	v34 =	vshll.u32 v15, $0x7;
	v22 =	vand.u32 $0xFFFFE000, v22  }
0x165: {  	v23 =	vand.u32 $0x380, v23;
	v18 =	vand.u32 $0xFFFFE000, v18;
	v27 =	vand.u32 $0xFFFFE000, v27  }
0x166: {  	v38 =	vld [tilespmem:s13+$0xFFFFFFA0];
	v30 =	vshll.u32 v21, $0x7;
	v31 =	vand.u32 $0x380, v31;
	v32 =	vand.u32 $0x380, v32  }
0x167: {  	v48 =	vld [tilespmem:s13+$0xFFFFFFE0];
	v34 =	vand.u32 $0x380, v34;
	v22 =	vadd.s32 v16, v22;
	v13 =	vtrunc.f32 v13  }
0x168: {  	v29 =	vshll.u32 v14, $0xA;
	v36 =	vshll.u32 v14, $0x7;
	v18 =	vadd.s32 v16, v18  }
0x169: {  	v27 =	vadd.s32 v16, v27;
	v30 =	vand.u32 $0x380, v30;
	v22 =	vor.u32 v23, v22  }
0x16a: {  	v23 =	vshll.u32 v21, $0xA;
	v29 =	vand.u32 $0xFFFFE000, v29;
	v47 =	vand.u32 $0x380, v36  }
0x16b: {  	v18 =	vor.u32 v31, v18;
	v31 =	vsub.f32 v38, v11;
	v27 =	vor.u32 v34, v27  }
0x16c: {  	v36 =	vsub.f32 v48, v11;
	v34 =	vmul.f32 v51, v12;
	v19 =	vor.u32 v9, v22  }
0x16d: {  	v22 =	vcvt.f32.s32 v13;
	v13 =	vcvt.f32.s32 v26;
	v26 =	vshll.u32 v24, $0xA  }
0x16e: {  	v23 =	vand.u32 $0xFFFFE000, v23;
	v57 =	vor.u32 v3, v18;
	v59 =	vor.u32 v6, v27  }
0x16f: {  	v49 =	vld [tilespmem:s13+$0xFFFFFFF0];
	v26 =	vand.u32 $0xFFFFE000, v26;
	v23 =	vor.u32 v23, v16;
	v36 =	vmul.f32 v36, v12  }
0x170: {  	v34 =	vsub.f32 $1.000000000e+00, v34;
	v20 =	vshll.u32 v22, $0xA;
	v28 =	vshll.u32 v13, $0xA  }
0x171: {  	v33 =	vshll.u32 v22, $0x7;
	v35 =	vshll.u32 v13, $0x7;
	v26 =	vadd.s32 v16, v26  }
0x172: {  	v23 =	vor.u32 v30, v23;
	v20 =	vand.u32 $0xFFFFE000, v20;
	v28 =	vand.u32 $0xFFFFE000, v28  }
0x173: {  	v33 =	vand.u32 $0x380, v33;
	v30 =	vand.u32 $0x380, v35;
	v26 =	vor.u32 v32, v26  }
0x174: {  	v32 =	vsub.f32 v49, v11;
	v35 =	vmul.f32 $3.100000000e+01, v52;
	v36 =	vsub.f32 $1.000000000e+00, v36  }
0x175: {  	v34 =	vmul.f32 $3.100000000e+01, v34;
	v23 =	vor.u32 v1, v23;
	v28 =	vadd.s32 v16, v28  }
0x176: {  	v20 =	vadd.s32 v16, v20;
	v16 =	vadd.s32 v16, v29;
	v28 =	vor.u32 v30, v28  }
0x177: {  	v29 =	vld [tilespmem:s13+$0xFFFFFFC0];
	v30 =	vmul.f32 v31, v12;
	v31 =	vor.u32 v47, v16;
	v16 =	vmul.f32 v50, v12  }
0x178: {  	v33 =	vor.u32 v33, v20;
	v32 =	vmul.f32 v32, v12;
	v35 =	vtrunc.f32 v35  }
0x179: {  	v20 =	vld [tilespmem:s13+$0xFFFFFF90];
	v36 =	vmul.f32 $3.100000000e+01, v36;
	v35 =	vcvt.f32.s32 v35;
	v33 =	vor.u32 v5, v33  }
0x17a: {  	v28 =	vor.u32 v7, v28;
	v27 =	vor.u32 v8, v31;
	v30 =	vsub.f32 $1.000000000e+00, v30  }
0x17b: {  	v16 =	vsub.f32 $1.000000000e+00, v16;
	v32 =	vsub.f32 $1.000000000e+00, v32;
	v58 =	vtrunc.f32 v36  }
0x17c: {  	v55 =	vshll.u32 v35, $0xA;
	[tilespmem:v23+s22+$0x0] =	vst.idx.msk $0xffff, v10;
	v23 =	vcvt.f32.s32 v58;
	v29 =	vsub.f32 v29, v11  }
0x17d: {  	v56 =	vshll.u32 v35, $0x7;
	v30 =	vmul.f32 $3.100000000e+01, v30;
	v16 =	vmul.f32 $3.100000000e+01, v16  }
0x17e: {  	v32 =	vmul.f32 $3.100000000e+01, v32;
	v20 =	vsub.f32 v20, v11;
	v29 =	vmul.f32 v29, v12  }
0x17f: {  	v39 =	vand.u32 $0x380, v56;
	v18 =	vtrunc.f32 v30;
	v16 =	vtrunc.f32 v16  }
0x180: {  	[tilespmem:v19+s22+$0x0] =	vst.idx.msk $0xffff, v10;
	v30 =	vor.u32 v4, v26;
	v32 =	vtrunc.f32 v32;
	v20 =	vmul.f32 v20, v12  }
0x181: {  	[tilespmem:s4+$0x30] =	vst v17;
	v63 =	vshll.u32 v23, $0xA;
	v18 =	vcvt.f32.s32 v18;
	v17 =	vcvt.f32.s32 v16  }
0x182: {  	[tilespmem:s4+$0xFFFFFFC0] =	vst v21;
	v21 =	vcvt.f32.s32 v32;
	v29 =	vsub.f32 $1.000000000e+00, v29;
	v54 =	vsub.f32 $1.000000000e+00, v20  }
0x183: {  	[tilespmem:v33+s22+$0x0] =	vst.idx.msk $0xffff, v10;
	v20 =	vbroadcast v37, $0x0;
	v37 =	vand.u32 $0xFFFFE000, v55;
	v60 =	vshll.u32 v17, $0xA  }
0x184: {  	[tilespmem:s4+$0xFFFFFFF0] =	vst v22;
	v41 =	vshll.u32 v21, $0xA;
	v22 =	vshll.u32 v21, $0x7;
	v29 =	vmul.f32 $3.100000000e+01, v29  }
0x185: {  	v37 =	vadd.s32 v20, v37;
	v38 =	vmul.f32 $3.100000000e+01, v54;
	[tilespmem:v30+s22+$0x0] =	vst.idx.msk $0xffff, v10;
	v30 =	vshll.u32 v23, $0x7  }
0x186: {  	v37 =	vor.u32 v39, v37;
	v26 =	vtrunc.f32 v29;
	v29 =	vtrunc.f32 v34  }
0x187: {  	[tilespmem:s4+$0xFFFFFFE0] =	vst v24;
	v24 =	vand.u32 $0xFFFFE000, v41;
	v37 =	vor.u32 v9, v37;
	v38 =	vtrunc.f32 v38  }
0x188: {  	v16 =	vcvt.f32.s32 v26;
	v26 =	vcvt.f32.s32 v29;
	v29 =	vshll.u32 v18, $0xA  }
0x189: {  	[tilespmem:v57+s22+$0x0] =	vst.idx.msk $0xffff, v10;
	v39 =	vshll.u32 v18, $0x7;
	v19 =	vcvt.f32.s32 v38;
	v34 =	vand.u32 $0xFFFFE000, v29  }
0x18a: {  	[tilespmem:v59+s22+$0x0] =	vst.idx.msk $0xffff, v10;
	v29 =	vand.u32 $0xFFFFE000, v63;
	v61 =	vshll.u32 v16, $0xA;
	v62 =	vshll.u32 v26, $0xA  }
0x18b: {  	[tilespmem:s4+$0xFFFFFFD0] =	vst v25;
	v32 =	vshll.u32 v16, $0x7;
	v33 =	vshll.u32 v26, $0x7;
	v31 =	vshll.u32 v19, $0xA  }
0x18c: {  	s7 =	simm.s32 $0x184C0;
	v25 =	vand.u32 $0xFFFFE000, v62;
	v38 =	vshll.u32 v19, $0x7;
	v36 =	vand.u32 $0xFFFFE000, v31;
	[tilespmem:v37+s22+$0x0] =	vst.idx.msk $0xffff, v10  }
0x18d: {  	s11 =	simm.s32 $0x8;
	s13 =	sadd.s32 $0x400, s13;
	v31 =	vand.u32 $0xFFFFE000, v61;
	v37 =	vshll.u32 v17, $0x7;
	[tilespmem:s7+$0x30] =	vst v35;
	v35 =	vand.u32 $0xFFFFE000, v60  }
.LBB2_14:
0x18e: {  	v40 =	vld [tilespmem:s13+$0x0];
	v36 =	vor.u32 v36, v20;
	v34 =	vadd.s32 v20, v34;
	v35 =	vadd.s32 v20, v35;
	[tilespmem:s4+$0x0] =	vst v15  }
0x18f: {  	s11 =	sadd.s32 $0x8, s11;
	v31 =	vadd.s32 v20, v31;
	v25 =	vadd.s32 v20, v25;
	v29 =	vadd.s32 v20, v29;
	v15 =	vmovc v26;
	v41 =	vld [tilespmem:s13+$0xFFFFFFA0]  }
0x190: {  	v38 =	vand.u32 $0x380, v38;
	v39 =	vand.u32 $0x380, v39;
	v20 =	vadd.s32 v20, v24;
	p0 =	slt.u32 s11, $0x38;
	v26 =	vld [tilespmem:s13+$0xFFFFFFB0];
	[tilespmem:v28+s22+$0x0] =	vst.idx.msk $0xffff, v10  }
0x191: {  	v32 =	vand.u32 $0x380, v32;
	v33 =	vand.u32 $0x380, v33;
	v28 =	vand.u32 $0x380, v37;
	v24 =	vld [tilespmem:s13+$0xFFFFFFC0];
	[tilespmem:s4+$0x10] =	vst v13;
	v13 =	vmovc v23  }
0x192: {  	v30 =	vand.u32 $0x380, v30;
	v22 =	vand.u32 $0x380, v22;
	v36 =	vor.u32 v38, v36;
	v23 =	vld [tilespmem:s13+$0xFFFFFFD0];
	[tilespmem:v27+s22+$0x0] =	vst.idx.msk $0xffff, v10  }
0x193: {  	v34 =	vor.u32 v39, v34;
	v28 =	vor.u32 v28, v35;
	v27 =	vld [tilespmem:s13+$0xFFFFFFE0];
	v37 =	vsub.f32 v40, v11;
	[tilespmem:s4+$0x20] =	vst v14;
	s4 =	smov.u32 s7  }
0x194: {  	v31 =	vor.u32 v32, v31;
	v25 =	vor.u32 v33, v25;
	v14 =	vmovc v21;
	v35 =	vsub.f32 v41, v11;
	v38 =	vld [tilespmem:s13+$0xFFFFFFF0]  }
0x195: {  	v29 =	vor.u32 v30, v29;
	v21 =	vld [tilespmem:s13+$0xFFFFFF90];
	v26 =	vsub.f32 v26, v11;
	v32 =	vmul.f32 v37, v12  }
0x196: {  	v22 =	vor.u32 v22, v20;
	v30 =	vmul.f32 v35, v12;
	v24 =	vsub.f32 v24, v11  }
0x197: {  	v20 =	vmul.f32 v26, v12;
	v23 =	vsub.f32 v23, v11;
	v26 =	vsub.f32 $1.000000000e+00, v32  }
0x198: {  	v30 =	vsub.f32 $1.000000000e+00, v30;
	v24 =	vmul.f32 v24, v12;
	v27 =	vsub.f32 v27, v11  }
0x199: {  	v23 =	vmul.f32 v23, v12;
	v32 =	vsub.f32 v38, v11;
	v26 =	vmul.f32 $3.100000000e+01, v26  }
0x19a: {  	s10 =	sadd.s32 $0x80, s10;
	v33 =	vsub.f32 $1.000000000e+00, v20;
	v21 =	vsub.f32 v21, v11;
	v27 =	vmul.f32 v27, v12  }
0x19b: {  	v20 =	vmov s10;
	v32 =	vmul.f32 v32, v12;
	v26 =	vtrunc.f32 v26  }
0x19c: {  	v20 =	vshrl.u32 v20, $0x7;
	v21 =	vmul.f32 v21, v12;
	v26 =	vcvt.f32.s32 v26  }
0x19d: {  	v24 =	vsub.f32 $1.000000000e+00, v24;
	v20 =	vshll.u32 v20, $0xA;
	v23 =	vsub.f32 $1.000000000e+00, v23  }
0x19e: {  	v20 =	vbroadcast v20, $0x0;
	v21 =	vsub.f32 $1.000000000e+00, v21;
	v35 =	vshll.u32 v26, $0xA  }
0x19f: {  	v27 =	vsub.f32 $1.000000000e+00, v27;
	v37 =	vshll.u32 v26, $0x7;
	v35 =	vand.u32 $0xFFFFE000, v35  }
0x1a0: {  	v32 =	vsub.f32 $1.000000000e+00, v32;
	v37 =	vand.u32 $0x380, v37;
	v35 =	vadd.s32 v20, v35  }
0x1a1: {  	v30 =	vmul.f32 $3.100000000e+01, v30;
	v21 =	vmul.f32 $3.100000000e+01, v21;
	v35 =	vor.u32 v37, v35  }
0x1a2: {  	v33 =	vmul.f32 $3.100000000e+01, v33;
	v24 =	vmul.f32 $3.100000000e+01, v24;
	v35 =	vor.u32 v9, v35  }
0x1a3: {  	v36 =	vor.u32 v1, v36;
	v23 =	vmul.f32 $3.100000000e+01, v23;
	v27 =	vmul.f32 $3.100000000e+01, v27  }
0x1a4: {  	v34 =	vor.u32 v3, v34;
	v32 =	vmul.f32 $3.100000000e+01, v32;
	v21 =	vtrunc.f32 v21  }
0x1a5: {  	v30 =	vtrunc.f32 v30;
	v33 =	vtrunc.f32 v33;
	v37 =	vor.u32 v4, v28  }
0x1a6: {  	v39 =	vor.u32 v5, v31;
	v24 =	vtrunc.f32 v24;
	v23 =	vtrunc.f32 v23  }
0x1a7: {  	v40 =	vor.u32 v6, v25;
	s7 =	sadd.s32 $0x80, s7;
	v31 =	vtrunc.f32 v27;
	v32 =	vtrunc.f32 v32;
	[tilespmem:v35+s22+$0x0] =	vst.idx.msk $0xffff, v10  }
0x1a8: {  	v25 =	vcvt.f32.s32 v30;
	v28 =	vor.u32 v7, v29;
	v21 =	vcvt.f32.s32 v21;
	[tilespmem:s7+$0x30] =	vst v26  }
0x1a9: {  	v30 =	vcvt.f32.s32 v24;
	v27 =	vor.u32 v8, v22;
	v29 =	vcvt.f32.s32 v33;
	[tilespmem:v36+s22+$0x0] =	vst.idx.msk $0xffff, v10  }
0x1aa: {  	v22 =	vshll.u32 v21, $0xA;
	v26 =	vcvt.f32.s32 v23;
	v23 =	vcvt.f32.s32 v31;
	[tilespmem:s4+$0xFFFFFFC0] =	vst v19;
	v19 =	vmovc v21  }
0x1ab: {  	v24 =	vshll.u32 v25, $0xA;
	v31 =	vshll.u32 v29, $0xA;
	v21 =	vcvt.f32.s32 v32;
	[tilespmem:v34+s22+$0x0] =	vst.idx.msk $0xffff, v10  }
0x1ac: {  	v32 =	vshll.u32 v30, $0xA;
	v33 =	vshll.u32 v26, $0xA;
	v41 =	vshll.u32 v23, $0xA;
	[tilespmem:s4+$0xFFFFFFD0] =	vst v18;
	v18 =	vmovc v25  }
.Ltmp7:
0x1ad: {  	v36 =	vand.u32 $0xFFFFE000, v22;
	v34 =	vand.u32 $0xFFFFE000, v24;
	v22 =	vshll.u32 v21, $0xA;
	[tilespmem:v37+s22+$0x0] =	vst.idx.msk $0xffff, v10;
	(pc) =	sbr.rel @p0 .LBB2_14-.Ltmp7, $4  }
0x1ae: {  	v35 =	vand.u32 $0xFFFFE000, v31;
	v31 =	vand.u32 $0xFFFFE000, v32;
	v25 =	vand.u32 $0xFFFFE000, v33;
	[tilespmem:s4+$0xFFFFFFE0] =	vst v17;
	v17 =	vmovc v29  }
0x1af: {  	v38 =	vshll.u32 v19, $0x7;
	v24 =	vand.u32 $0xFFFFE000, v22;
	v29 =	vand.u32 $0xFFFFE000, v41;
	[tilespmem:v39+s22+$0x0] =	vst.idx.msk $0xffff, v10  }
0x1b0: {  	v32 =	vshll.u32 v30, $0x7;
	v39 =	vshll.u32 v18, $0x7;
	v37 =	vshll.u32 v17, $0x7;
	[tilespmem:s4+$0xFFFFFFF0] =	vst v16;
	v16 =	vmovc v30  }
0x1b1: {  	s13 =	sadd.s32 $0x400, s13;
	v33 =	vshll.u32 v26, $0x7;
	v22 =	vshll.u32 v21, $0x7;
	v30 =	vshll.u32 v23, $0x7;
	[tilespmem:v40+s22+$0x0] =	vst.idx.msk $0xffff, v10  }
0x1b2: {  	_ =	sdelay $0x1  }
0x1b3: {  	v36 =	vor.u32 v36, v20;
	v38 =	vand.u32 $0x380, v38  }
0x1b4: {  	v34 =	vadd.s32 v20, v34;
	[tilespmem:s4+$0x0] =	vst v15;
	v15 =	vand.u32 $0x380, v39;
	v36 =	vor.u32 v38, v36  }
0x1b5: {  	[tilespmem:v28+s22+$0x0] =	vst.idx.msk $0xffff, v10;
	v15 =	vor.u32 v15, v34;
	v36 =	vor.u32 v1, v36  }
0x1b6: {  	[tilespmem:s4+$0x10] =	vst v13;
	v13 =	vor.u32 v3, v15  }
0x1b7: {  	v56 =	vadd.s32 v20, v35;
	v57 =	vand.u32 $0x380, v37  }
0x1b8: {  	[tilespmem:v27+s22+$0x0] =	vst.idx.msk $0xffff, v10;
	v15 =	vor.u32 v57, v56  }
0x1b9: {  	v58 =	vadd.s32 v20, v31;
	v59 =	vand.u32 $0x380, v32;
	[tilespmem:s4+$0x20] =	vst v14;
	v14 =	vor.u32 v4, v15  }
0x1ba: {  	v15 =	vor.u32 v59, v58;
	[tilespmem:v36+s22+$0x0] =	vst.idx.msk $0xffff, v10  }
0x1bb: {  	v25 =	vadd.s32 v20, v25;
	v60 =	vand.u32 $0x380, v33;
	v15 =	vor.u32 v5, v15;
	[tilespmem:v13+s22+$0x0] =	vst.idx.msk $0xffff, v10  }
0x1bc: {  	v61 =	vor.u32 v60, v25;
	[tilespmem:s7+$0xFFFFFFC0] =	vst v19  }
0x1bd: {  	v62 =	vand.u32 $0x380, v30;
	v13 =	vadd.s32 v20, v29;
	v19 =	vor.u32 v6, v61;
	[tilespmem:s7+$0xFFFFFFD0] =	vst v18  }
0x1be: {  	v13 =	vor.u32 v62, v13;
	[tilespmem:v14+s22+$0x0] =	vst.idx.msk $0xffff, v10  }
0x1bf: {  	v63 =	vand.u32 $0x380, v22;
	v14 =	vadd.s32 v20, v24;
	v13 =	vor.u32 v7, v13;
	[tilespmem:s7+$0xFFFFFFE0] =	vst v17  }
0x1c0: {  	v14 =	vor.u32 v63, v14;
	[tilespmem:v15+s22+$0x0] =	vst.idx.msk $0xffff, v10  }
0x1c1: {  	v14 =	vor.u32 v8, v14;
	[tilespmem:s7+$0xFFFFFFF0] =	vst v16  }
0x1c2: {  	s31 =	sadd.s32 $0x1, s31;
	[tilespmem:v19+s22+$0x0] =	vst.idx.msk $0xffff, v10  }
0x1c3: {  	p0 =	sne.s32 s31, $0x8;
	[tilespmem:s7+$0x0] =	vst v26  }
.Ltmp8:
0x1c4: {  	[tilespmem:v13+s22+$0x0] =	vst.idx.msk $0xffff, v10;
	(pc) =	sbr.rel @p0 .LBB2_7-.Ltmp8, $4  }
0x1c5: {  	[tilespmem:s7+$0x10] =	vst v23  }
0x1c6: {  	[tilespmem:v14+s22+$0x0] =	vst.idx.msk $0xffff, v10  }
0x1c7: {  	s3 =	sadd.s32 $0x80, s3;
	s16 =	sadd.s32 $0x80, s16;
	[tilespmem:s7+$0x20] =	vst v21  }
0x1c8: {  	[hbm4b:s5+s19] =	stream.strided.scatter [tilespmem:s22], [sflag:$0x2], $0x8000, s20, s19, $0x38;
	[tilespmem:$0x19000] =	vst v63  }
0x1c9: {  	p0 =	seq.s32 s29, $0x7  }
0x1ca: {  	s0 =	sshll.u32 @!p0 s29, $0xC  }
0x1cb: {  	s3 =	simm.s32 @!p0 $0x0;
	s0 =	sadd.s32 @!p0 s14, s0  }
0x1cc: {  	[tilespmem:s3], [sflag:$0x3] =	stream.linear.gather @!p0 [hbm4b:s0+s3], $0x4000, $0x38;
	[tilespmem:$0x19000] =	vst v63  }
0x1cd: {  	s30 =	sadd.s32 s12, s30;
	_ =	swait.ge [sflag:s26], $0x4000  }
0x1ce: {  	s31 =	simm.s32 $0x0;
	s16 =	simm.s32 $0x0;
	[sflag:s26] =	ssyncset.done $0x0  }
0x1cf: {  	s0 =	simm.s32 $0x4040;
	s3 =	simm.s32 $0x6070;
	[sflag:s26] =	ssyncadd.s32 $0xFFFFC000  }
.LBB2_17:
0x1d0: {  	_ =	swait.ge [sflag:s24], $0x8000  }
0x1d1: {  	[sflag:s24] =	ssyncset.done $0x0  }
0x1d2: {  	s4 =	simm.s32 $0x18040;
	[sflag:s24] =	ssyncadd.s32 $0xFFFF8000  }
0x1d3: {  	v13 =	vld [tilespmem:s4+$0x30]  }
0x1d4: {  	v14 =	vld [tilespmem:s4+$0xFFFFFFD0]  }
0x1d5: {  	v16 =	vld [tilespmem:s4+$0xFFFFFFE0]  }
0x1d6: {  	v17 =	vld [tilespmem:s4+$0xFFFFFFF0]  }
0x1d7: {  	v15 =	vmov s31;
	v18 =	vld [tilespmem:s4+$0x0]  }
0x1d8: {  	v15 =	vshrl.u32 v15, $0x7;
	v22 =	vld [tilespmem:s4+$0x20]  }
0x1d9: {  	v15 =	vshll.u32 v15, $0xA;
	v23 =	vld [tilespmem:s4+$0xFFFFFFC0]  }
0x1da: {  	v19 =	vbroadcast v15, $0x0;
	v15 =	vld [tilespmem:s4+$0x10]  }
0x1db: {  	v20 =	vshll.u32 v13, $0xA  }
0x1dc: {  	v21 =	vshll.u32 v14, $0xA;
	v13 =	vshll.u32 v13, $0x7;
	v24 =	vshll.u32 v16, $0xA  }
0x1dd: {  	v25 =	vshll.u32 v17, $0xA;
	v27 =	vshll.u32 v14, $0x7;
	v14 =	vshll.u32 v22, $0xA  }
0x1de: {  	v28 =	vshll.u32 v23, $0xA;
	v23 =	vshll.u32 v23, $0x7;
	v63 =	vshll.u32 v16, $0x7  }
0x1df: {  	v30 =	vshll.u32 v17, $0x7;
	v31 =	vshll.u32 v18, $0x7;
	v32 =	vshll.u32 v15, $0x7  }
0x1e0: {  	v33 =	vshll.u32 v22, $0x7;
	v20 =	vand.u32 $0xFFFFE000, v20;
	v13 =	vand.u32 $0x380, v13  }
0x1e1: {  	v21 =	vand.u32 $0xFFFFE000, v21;
	v29 =	vand.u32 $0xFFFFE000, v14;
	v14 =	vand.u32 $0xFFFFE000, v28  }
0x1e2: {  	v20 =	vadd.s32 v19, v20;
	v22 =	vor.u32 v14, v19;
	v16 =	vadd.s32 v19, v21  }
0x1e3: {  	v21 =	vand.u32 $0x380, v23;
	v23 =	vand.u32 $0x380, v30;
	v13 =	vor.u32 v13, v20  }
0x1e4: {  	v20 =	vand.u32 $0xFFFFE000, v24;
	v24 =	vshll.u32 v18, $0xA;
	v26 =	vor.u32 v9, v13  }
0x1e5: {  	v18 =	vadd.s32 v19, v29;
	v22 =	vor.u32 v21, v22;
	v21 =	vand.u32 $0x380, v33  }
0x1e6: {  	s5 =	sadd.s32 s30, s16;
	v13 =	vand.u32 $0xFFFFE000, v25;
	v24 =	vand.u32 $0xFFFFE000, v24;
	v25 =	vshll.u32 v15, $0xA  }
0x1e7: {  	s5 =	sshll.u32 s5, $0xD;
	v15 =	vadd.s32 v19, v20;
	v20 =	vand.u32 $0x380, v27;
	v25 =	vand.u32 $0xFFFFE000, v25  }
0x1e8: {  	s7 =	simm.s32 $0x0;
	s18 =	sand.u32 $0x1FFFE000, s5;
	v17 =	vadd.s32 v19, v13;
	v14 =	vadd.s32 v19, v24;
	v24 =	vand.u32 $0x380, v32  }
0x1e9: {  	s10 =	simm.s32 $0x180C0;
	s11 =	simm.s32 $0x0;
	s5 =	sadd.s32 s1, s18;
	v13 =	vadd.s32 v19, v25;
	v25 =	vand.u32 $0x380, v63;
	v19 =	vand.u32 $0x380, v31;
	[tilespmem:v26+s21+$0x0] =	vst.idx.msk $0xffff, v0  }
.LBB2_18:
0x1ea: {  	v26 =	vld [tilespmem:s10+$0x30];
	s7 =	sadd.s32 $0x8, s7;
	v16 =	vor.u32 v20, v16;
	v15 =	vor.u32 v25, v15;
	v17 =	vor.u32 v23, v17  }
0x1eb: {  	v14 =	vor.u32 v19, v14;
	v13 =	vor.u32 v24, v13;
	v18 =	vor.u32 v21, v18;
	s11 =	sadd.s32 $0x80, s11;
	v20 =	vld [tilespmem:s10+$0xFFFFFFD0];
	p1 =	slt.u32 s7, $0x38  }
0x1ec: {  	v22 =	vor.u32 v1, v22;
	v19 =	vmov s11;
	v16 =	vor.u32 v3, v16;
	v21 =	vld [tilespmem:s10+$0xFFFFFFE0]  }
0x1ed: {  	v15 =	vor.u32 v4, v15;
	v17 =	vor.u32 v5, v17;
	v19 =	vshrl.u32 v19, $0x7;
	v23 =	vld [tilespmem:s10+$0xFFFFFFF0]  }
0x1ee: {  	v14 =	vor.u32 v6, v14;
	v13 =	vor.u32 v7, v13;
	v19 =	vshll.u32 v19, $0xA;
	v24 =	vld [tilespmem:s10+$0x0]  }
0x1ef: {  	v18 =	vor.u32 v8, v18;
	v19 =	vbroadcast v19, $0x0;
	v25 =	vld [tilespmem:s10+$0x10];
	v27 =	vshll.u32 v26, $0xA  }
0x1f0: {  	v26 =	vshll.u32 v26, $0x7;
	v28 =	vshll.u32 v20, $0xA;
	v29 =	vld [tilespmem:s10+$0x20];
	v27 =	vand.u32 $0xFFFFE000, v27  }
0x1f1: {  	v26 =	vand.u32 $0x380, v26;
	v30 =	vld [tilespmem:s10+$0xFFFFFFC0];
	v31 =	vshll.u32 v21, $0xA;
	v27 =	vadd.s32 v19, v27;
	[tilespmem:v22+s21+$0x0] =	vst.idx.msk $0xffff, v0  }
0x1f2: {  	v22 =	vand.u32 $0xFFFFE000, v28;
	v28 =	vshll.u32 v23, $0xA;
	v26 =	vor.u32 v26, v27;
	[tilespmem:v16+s21+$0x0] =	vst.idx.msk $0xffff, v0  }
0x1f3: {  	v27 =	vand.u32 $0xFFFFE000, v31;
	v16 =	vshll.u32 v24, $0xA;
	v26 =	vor.u32 v9, v26;
	[tilespmem:v15+s21+$0x0] =	vst.idx.msk $0xffff, v0  }
0x1f4: {  	v28 =	vand.u32 $0xFFFFE000, v28;
	v31 =	vand.u32 $0xFFFFE000, v16;
	v15 =	vshll.u32 v25, $0xA;
	[tilespmem:v17+s21+$0x0] =	vst.idx.msk $0xffff, v0  }
0x1f5: {  	v20 =	vshll.u32 v20, $0x7;
	v32 =	vand.u32 $0xFFFFE000, v15;
	v15 =	vshll.u32 v29, $0xA;
	[tilespmem:v14+s21+$0x0] =	vst.idx.msk $0xffff, v0  }
0x1f6: {  	v14 =	vshll.u32 v30, $0xA;
	v30 =	vshll.u32 v30, $0x7;
	v33 =	vand.u32 $0xFFFFE000, v15;
	[tilespmem:v13+s21+$0x0] =	vst.idx.msk $0xffff, v0  }
0x1f7: {  	v21 =	vshll.u32 v21, $0x7;
	v23 =	vshll.u32 v23, $0x7;
	v13 =	vand.u32 $0xFFFFE000, v14;
	[tilespmem:v18+s21+$0x0] =	vst.idx.msk $0xffff, v0  }
0x1f8: {  	s13 =	simm.s32 $0x0;
	v24 =	vshll.u32 v24, $0x7;
	v34 =	vshll.u32 v25, $0x7;
	v29 =	vshll.u32 v29, $0x7;
	[tilespmem:v26+s21+$0x0] =	vst.idx.msk $0xffff, v0  }
.Ltmp9:
0x1f9: {  	v16 =	vadd.s32 v19, v22;
	v15 =	vadd.s32 v19, v27;
	v26 =	vor.u32 v13, v19;
	(pc) =	sbr.rel @p1 .LBB2_18-.Ltmp9, $4  }
0x1fa: {  	v17 =	vadd.s32 v19, v28;
	v14 =	vadd.s32 v19, v31;
	v13 =	vadd.s32 v19, v32  }
0x1fb: {  	v20 =	vand.u32 $0x380, v20;
	v22 =	vand.u32 $0x380, v30;
	v18 =	vadd.s32 v19, v33  }
0x1fc: {  	v23 =	vand.u32 $0x380, v23;
	v25 =	vand.u32 $0x380, v21;
	v19 =	vand.u32 $0x380, v24  }
0x1fd: {  	s10 =	sadd.s32 $0x80, s10;
	v21 =	vand.u32 $0x380, v29;
	v24 =	vand.u32 $0x380, v34;
	v22 =	vor.u32 v22, v26  }
0x1fe: {  	v16 =	vor.u32 v20, v16;
	v20 =	vor.u32 v1, v22  }
0x1ff: {  	v15 =	vor.u32 v25, v15;
	v16 =	vor.u32 v3, v16  }
0x200: {  	v17 =	vor.u32 v23, v17;
	v15 =	vor.u32 v4, v15  }
0x201: {  	v14 =	vor.u32 v19, v14;
	v17 =	vor.u32 v5, v17  }
0x202: {  	v13 =	vor.u32 v24, v13;
	v14 =	vor.u32 v6, v14  }
0x203: {  	v18 =	vor.u32 v21, v18;
	v13 =	vor.u32 v7, v13;
	[tilespmem:v20+s21+$0x0] =	vst.idx.msk $0xffff, v0  }
0x204: {  	v18 =	vor.u32 v8, v18;
	[tilespmem:v16+s21+$0x0] =	vst.idx.msk $0xffff, v0  }
0x205: {  	[tilespmem:v15+s21+$0x0] =	vst.idx.msk $0xffff, v0  }
0x206: {  	[tilespmem:v17+s21+$0x0] =	vst.idx.msk $0xffff, v0  }
0x207: {  	[tilespmem:v14+s21+$0x0] =	vst.idx.msk $0xffff, v0  }
0x208: {  	[tilespmem:v13+s21+$0x0] =	vst.idx.msk $0xffff, v0  }
0x209: {  	[tilespmem:v18+s21+$0x0] =	vst.idx.msk $0xffff, v0  }
0x20a: {  	v13 =	vld [tilespmem:s0+$0x30]  }
0x20b: {  	v14 =	vld [tilespmem:s0+$0xFFFFFFD0]  }
0x20c: {  	v15 =	vld [tilespmem:s0+$0xFFFFFFE0]  }
0x20d: {  	v16 =	vld [tilespmem:s0+$0xFFFFFFF0]  }
0x20e: {  	v17 =	vld [tilespmem:s0+$0x0]  }
0x20f: {  	v18 =	vld [tilespmem:s0+$0x10]  }
0x210: {  	v19 =	vld [tilespmem:s0+$0xFFFFFFC0]  }
0x211: {  	v20 =	vld [tilespmem:s0+$0x20]  }
0x212: {  	v13 =	vsub.f32 v13, v11  }
0x213: {  	v14 =	vsub.f32 v14, v11;
	v16 =	vsub.f32 v16, v11  }
0x214: {  	v15 =	vsub.f32 v15, v11;
	v17 =	vsub.f32 v17, v11;
	v13 =	vmul.f32 v13, v12  }
0x215: {  	v14 =	vmul.f32 v14, v12;
	v21 =	vmul.f32 v16, v12;
	v16 =	vsub.f32 v18, v11  }
0x216: {  	v15 =	vmul.f32 v15, v12;
	v18 =	vsub.f32 v19, v11;
	v19 =	vsub.f32 v20, v11  }
0x217: {  	v17 =	vmul.f32 v17, v12;
	v13 =	vsub.f32 $1.000000000e+00, v13;
	v14 =	vsub.f32 $1.000000000e+00, v14  }
0x218: {  	v15 =	vsub.f32 $1.000000000e+00, v15;
	v20 =	vmul.f32 v16, v12;
	v18 =	vmul.f32 v18, v12  }
0x219: {  	v16 =	vmov s13;
	v19 =	vmul.f32 v19, v12;
	v17 =	vsub.f32 $1.000000000e+00, v17  }
0x21a: {  	v13 =	vmul.f32 $3.100000000e+01, v13;
	v18 =	vsub.f32 $1.000000000e+00, v18;
	v14 =	vmul.f32 $3.100000000e+01, v14  }
0x21b: {  	s13 =	sadd.s32 $0x400, s0;
	v19 =	vsub.f32 $1.000000000e+00, v19;
	v15 =	vmul.f32 $3.100000000e+01, v15;
	v17 =	vmul.f32 $3.100000000e+01, v17  }
0x21c: {  	s10 =	simm.s32 $0x80;
	v37 =	vld [tilespmem:s13+$0x30];
	v13 =	vtrunc.f32 v13;
	v18 =	vmul.f32 $3.100000000e+01, v18  }
0x21d: {  	v54 =	vmov s10;
	v39 =	vld [tilespmem:s13+$0xFFFFFFE0];
	v19 =	vmul.f32 $3.100000000e+01, v19;
	v14 =	vtrunc.f32 v14  }
0x21e: {  	v21 =	vsub.f32 $1.000000000e+00, v21;
	v40 =	vld [tilespmem:s13+$0x0];
	v15 =	vtrunc.f32 v15;
	v17 =	vtrunc.f32 v17  }
0x21f: {  	v22 =	vshrl.u32 v16, $0x7;
	v16 =	vcvt.f32.s32 v13;
	v25 =	vcvt.f32.s32 v14  }
0x220: {  	v13 =	vshll.u32 v22, $0xA;
	v24 =	vcvt.f32.s32 v15;
	v15 =	vcvt.f32.s32 v17  }
0x221: {  	v23 =	vbroadcast v13, $0x0;
	v13 =	vsub.f32 $1.000000000e+00, v20;
	v20 =	vmul.f32 $3.100000000e+01, v21  }
0x222: {  	v18 =	vtrunc.f32 v18;
	v19 =	vtrunc.f32 v19;
	v37 =	vsub.f32 v37, v11  }
0x223: {  	v50 =	vsub.f32 v39, v11;
	v51 =	vsub.f32 v40, v11;
	v21 =	vshll.u32 v16, $0xA  }
0x224: {  	v22 =	vshll.u32 v16, $0x7;
	v17 =	vshll.u32 v25, $0xA;
	v26 =	vshll.u32 v24, $0xA  }
0x225: {  	v14 =	vcvt.f32.s32 v19;
	v27 =	vshll.u32 v15, $0xA;
	v31 =	vshll.u32 v25, $0x7  }
0x226: {  	v32 =	vshll.u32 v24, $0x7;
	v34 =	vshll.u32 v15, $0x7;
	v13 =	vmul.f32 $3.100000000e+01, v13  }
0x227: {  	v21 =	vand.u32 $0xFFFFE000, v21;
	v20 =	vtrunc.f32 v20;
	v22 =	vand.u32 $0x380, v22  }
0x228: {  	v17 =	vand.u32 $0xFFFFE000, v17;
	v26 =	vand.u32 $0xFFFFE000, v26;
	v27 =	vand.u32 $0xFFFFE000, v27  }
0x229: {  	v38 =	vld [tilespmem:s13+$0xFFFFFFD0];
	v31 =	vand.u32 $0x380, v31;
	v32 =	vand.u32 $0x380, v32;
	v34 =	vand.u32 $0x380, v34  }
0x22a: {  	v37 =	vmul.f32 v37, v12;
	v21 =	vadd.s32 v23, v21;
	v29 =	vshll.u32 v14, $0xA  }
0x22b: {  	v48 =	vld [tilespmem:s13+$0x20];
	v36 =	vshll.u32 v14, $0x7;
	v17 =	vadd.s32 v23, v17;
	v26 =	vadd.s32 v23, v26  }
0x22c: {  	v27 =	vadd.s32 v23, v27;
	v13 =	vtrunc.f32 v13;
	v22 =	vor.u32 v22, v21  }
0x22d: {  	v21 =	vcvt.f32.s32 v18;
	v29 =	vand.u32 $0xFFFFE000, v29;
	v46 =	vand.u32 $0x380, v36  }
0x22e: {  	v17 =	vor.u32 v31, v17;
	v26 =	vor.u32 v32, v26;
	v31 =	vsub.f32 v38, v11  }
0x22f: {  	v27 =	vor.u32 v34, v27;
	v52 =	vsub.f32 $1.000000000e+00, v37;
	v34 =	vmul.f32 v51, v12  }
0x230: {  	v32 =	vsub.f32 v48, v11;
	v36 =	vshrl.u32 v54, $0x7;
	v18 =	vor.u32 v9, v22  }
0x231: {  	v22 =	vcvt.f32.s32 v20;
	v13 =	vcvt.f32.s32 v13;
	v36 =	vshll.u32 v36, $0xA  }
0x232: {  	v58 =	vor.u32 v3, v17;
	v59 =	vor.u32 v4, v26;
	v41 =	vor.u32 v6, v27  }
0x233: {  	v20 =	vshll.u32 v21, $0xA;
	v30 =	vshll.u32 v21, $0x7;
	v32 =	vmul.f32 v32, v12  }
0x234: {  	v34 =	vsub.f32 $1.000000000e+00, v34;
	v19 =	vshll.u32 v22, $0xA;
	v28 =	vshll.u32 v13, $0xA  }
0x235: {  	v20 =	vand.u32 $0xFFFFE000, v20;
	v33 =	vshll.u32 v22, $0x7;
	v35 =	vshll.u32 v13, $0x7  }
0x236: {  	v30 =	vand.u32 $0x380, v30;
	v19 =	vand.u32 $0xFFFFE000, v19;
	v28 =	vand.u32 $0xFFFFE000, v28  }
0x237: {  	v49 =	vld [tilespmem:s13+$0xFFFFFFC0];
	v20 =	vor.u32 v20, v23;
	v33 =	vand.u32 $0x380, v33;
	v32 =	vsub.f32 $1.000000000e+00, v32  }
0x238: {  	v34 =	vmul.f32 $3.100000000e+01, v34;
	v19 =	vadd.s32 v23, v19;
	v28 =	vadd.s32 v23, v28  }
0x239: {  	v23 =	vadd.s32 v23, v29;
	v30 =	vor.u32 v30, v20;
	v20 =	vand.u32 $0x380, v35  }
0x23a: {  	v35 =	vmul.f32 $3.100000000e+01, v52;
	v19 =	vor.u32 v33, v19;
	v28 =	vor.u32 v20, v28  }
0x23b: {  	v20 =	vmul.f32 v31, v12;
	v23 =	vor.u32 v46, v23;
	v31 =	vmul.f32 v50, v12  }
0x23c: {  	v29 =	vld [tilespmem:s13+$0xFFFFFFF0];
	v33 =	vsub.f32 v49, v11;
	v30 =	vor.u32 v1, v30;
	v32 =	vmul.f32 $3.100000000e+01, v32  }
0x23d: {  	v26 =	vtrunc.f32 v34;
	v35 =	vtrunc.f32 v35;
	v60 =	vor.u32 v5, v19  }
0x23e: {  	v28 =	vor.u32 v7, v28;
	v27 =	vor.u32 v8, v23;
	v26 =	vcvt.f32.s32 v26  }
0x23f: {  	v47 =	vld [tilespmem:s13+$0x10];
	v53 =	vsub.f32 $1.000000000e+00, v20;
	v33 =	vmul.f32 v33, v12;
	v35 =	vcvt.f32.s32 v35  }
0x240: {  	v31 =	vsub.f32 $1.000000000e+00, v31;
	v32 =	vtrunc.f32 v32;
	v62 =	vshll.u32 v26, $0xA  }
0x241: {  	[tilespmem:v18+s21+$0x0] =	vst.idx.msk $0xffff, v10;
	v29 =	vsub.f32 v29, v11;
	v33 =	vsub.f32 $1.000000000e+00, v33;
	v56 =	vshll.u32 v35, $0xA  }
0x242: {  	[tilespmem:v58+s21+$0x0] =	vst.idx.msk $0xffff, v10;
	v57 =	vshll.u32 v35, $0x7;
	v37 =	vmul.f32 $3.100000000e+01, v53;
	v31 =	vmul.f32 $3.100000000e+01, v31  }
0x243: {  	[tilespmem:s4+$0xFFFFFFD0] =	vst v25;
	v25 =	vand.u32 $0xFFFFE000, v62;
	v20 =	vmul.f32 v29, v12;
	v33 =	vmul.f32 $3.100000000e+01, v33  }
0x244: {  	[tilespmem:v30+s21+$0x0] =	vst.idx.msk $0xffff, v10;
	v29 =	vsub.f32 v47, v11;
	v17 =	vtrunc.f32 v37;
	v31 =	vtrunc.f32 v31  }
0x245: {  	v39 =	vand.u32 $0x380, v57;
	[tilespmem:s4+$0xFFFFFFC0] =	vst v21;
	v21 =	vcvt.f32.s32 v32;
	v18 =	vcvt.f32.s32 v17  }
0x246: {  	v29 =	vmul.f32 v29, v12;
	v55 =	vsub.f32 $1.000000000e+00, v20;
	v20 =	vbroadcast v36, $0x0  }
0x247: {  	[tilespmem:v60+s21+$0x0] =	vst.idx.msk $0xffff, v10;
	v17 =	vcvt.f32.s32 v31;
	v36 =	vand.u32 $0xFFFFE000, v56;
	v33 =	vtrunc.f32 v33  }
0x248: {  	[tilespmem:s4+$0xFFFFFFF0] =	vst v22;
	v22 =	vshll.u32 v21, $0x7;
	v29 =	vsub.f32 $1.000000000e+00, v29;
	v36 =	vadd.s32 v20, v36  }
0x249: {  	v19 =	vcvt.f32.s32 v33;
	v38 =	vmul.f32 $3.100000000e+01, v55;
	v36 =	vor.u32 v39, v36  }
0x24a: {  	v31 =	vshll.u32 v17, $0xA;
	v36 =	vor.u32 v9, v36;
	v29 =	vmul.f32 $3.100000000e+01, v29  }
0x24b: {  	[tilespmem:s4+$0x30] =	vst v16;
	v37 =	vshll.u32 v17, $0x7;
	v33 =	vshll.u32 v26, $0x7;
	v16 =	vtrunc.f32 v38  }
0x24c: {  	v30 =	vshll.u32 v19, $0xA;
	v16 =	vcvt.f32.s32 v16;
	v29 =	vtrunc.f32 v29  }
0x24d: {  	[tilespmem:v59+s21+$0x0] =	vst.idx.msk $0xffff, v10;
	v39 =	vshll.u32 v18, $0x7;
	v38 =	vshll.u32 v19, $0x7;
	v23 =	vcvt.f32.s32 v29  }
0x24e: {  	[tilespmem:v41+s21+$0x0] =	vst.idx.msk $0xffff, v10;
	v29 =	vshll.u32 v18, $0xA;
	v61 =	vshll.u32 v16, $0xA;
	v32 =	vshll.u32 v16, $0x7  }
0x24f: {  	s7 =	simm.s32 $0x180C0;
	v34 =	vand.u32 $0xFFFFE000, v29;
	[tilespmem:v36+s21+$0x0] =	vst.idx.msk $0xffff, v10;
	v63 =	vshll.u32 v23, $0xA;
	v36 =	vand.u32 $0xFFFFE000, v30  }
0x250: {  	v30 =	vshll.u32 v21, $0xA;
	[tilespmem:s7+$0x30] =	vst v35;
	v35 =	vand.u32 $0xFFFFE000, v31;
	v31 =	vand.u32 $0xFFFFE000, v61  }
0x251: {  	s11 =	simm.s32 $0x8;
	s13 =	sadd.s32 $0x400, s13;
	[tilespmem:s4+$0xFFFFFFE0] =	vst v24;
	v29 =	vand.u32 $0xFFFFE000, v63;
	v24 =	vand.u32 $0xFFFFE000, v30;
	v30 =	vshll.u32 v23, $0x7  }
.LBB2_20:
0x252: {  	v40 =	vld [tilespmem:s13+$0x30];
	v36 =	vor.u32 v36, v20;
	v34 =	vadd.s32 v20, v34;
	v35 =	vadd.s32 v20, v35;
	[tilespmem:s4+$0x0] =	vst v15  }
0x253: {  	s11 =	sadd.s32 $0x8, s11;
	v31 =	vadd.s32 v20, v31;
	v25 =	vadd.s32 v20, v25;
	v29 =	vadd.s32 v20, v29;
	v15 =	vmovc v26;
	v41 =	vld [tilespmem:s13+$0xFFFFFFD0]  }
0x254: {  	v38 =	vand.u32 $0x380, v38;
	v39 =	vand.u32 $0x380, v39;
	v20 =	vadd.s32 v20, v24;
	p1 =	slt.u32 s11, $0x38;
	v26 =	vld [tilespmem:s13+$0xFFFFFFE0];
	[tilespmem:v28+s21+$0x0] =	vst.idx.msk $0xffff, v10  }
0x255: {  	v32 =	vand.u32 $0x380, v32;
	v33 =	vand.u32 $0x380, v33;
	v28 =	vand.u32 $0x380, v37;
	v24 =	vld [tilespmem:s13+$0xFFFFFFF0];
	[tilespmem:s4+$0x10] =	vst v13;
	v13 =	vmovc v23  }
0x256: {  	v30 =	vand.u32 $0x380, v30;
	v22 =	vand.u32 $0x380, v22;
	v36 =	vor.u32 v38, v36;
	v23 =	vld [tilespmem:s13+$0x0];
	[tilespmem:v27+s21+$0x0] =	vst.idx.msk $0xffff, v10  }
0x257: {  	v34 =	vor.u32 v39, v34;
	v28 =	vor.u32 v28, v35;
	v27 =	vld [tilespmem:s13+$0x10];
	v37 =	vsub.f32 v40, v11;
	[tilespmem:s4+$0x20] =	vst v14;
	s4 =	smov.u32 s7  }
0x258: {  	v31 =	vor.u32 v32, v31;
	v25 =	vor.u32 v33, v25;
	v14 =	vmovc v21;
	v35 =	vsub.f32 v41, v11;
	v38 =	vld [tilespmem:s13+$0x20]  }
0x259: {  	v29 =	vor.u32 v30, v29;
	v21 =	vld [tilespmem:s13+$0xFFFFFFC0];
	v26 =	vsub.f32 v26, v11;
	v32 =	vmul.f32 v37, v12  }
0x25a: {  	v22 =	vor.u32 v22, v20;
	v30 =	vmul.f32 v35, v12;
	v24 =	vsub.f32 v24, v11  }
0x25b: {  	v20 =	vmul.f32 v26, v12;
	v23 =	vsub.f32 v23, v11;
	v26 =	vsub.f32 $1.000000000e+00, v32  }
0x25c: {  	v30 =	vsub.f32 $1.000000000e+00, v30;
	v24 =	vmul.f32 v24, v12;
	v27 =	vsub.f32 v27, v11  }
0x25d: {  	v23 =	vmul.f32 v23, v12;
	v32 =	vsub.f32 v38, v11;
	v26 =	vmul.f32 $3.100000000e+01, v26  }
0x25e: {  	s10 =	sadd.s32 $0x80, s10;
	v33 =	vsub.f32 $1.000000000e+00, v20;
	v21 =	vsub.f32 v21, v11;
	v27 =	vmul.f32 v27, v12  }
0x25f: {  	v20 =	vmov s10;
	v32 =	vmul.f32 v32, v12;
	v26 =	vtrunc.f32 v26  }
0x260: {  	v20 =	vshrl.u32 v20, $0x7;
	v21 =	vmul.f32 v21, v12;
	v26 =	vcvt.f32.s32 v26  }
0x261: {  	v24 =	vsub.f32 $1.000000000e+00, v24;
	v20 =	vshll.u32 v20, $0xA;
	v23 =	vsub.f32 $1.000000000e+00, v23  }
0x262: {  	v20 =	vbroadcast v20, $0x0;
	v21 =	vsub.f32 $1.000000000e+00, v21;
	v35 =	vshll.u32 v26, $0xA  }
0x263: {  	v27 =	vsub.f32 $1.000000000e+00, v27;
	v37 =	vshll.u32 v26, $0x7;
	v35 =	vand.u32 $0xFFFFE000, v35  }
0x264: {  	v32 =	vsub.f32 $1.000000000e+00, v32;
	v37 =	vand.u32 $0x380, v37;
	v35 =	vadd.s32 v20, v35  }
0x265: {  	v30 =	vmul.f32 $3.100000000e+01, v30;
	v21 =	vmul.f32 $3.100000000e+01, v21;
	v35 =	vor.u32 v37, v35  }
0x266: {  	v33 =	vmul.f32 $3.100000000e+01, v33;
	v24 =	vmul.f32 $3.100000000e+01, v24;
	v35 =	vor.u32 v9, v35  }
0x267: {  	v36 =	vor.u32 v1, v36;
	v23 =	vmul.f32 $3.100000000e+01, v23;
	v27 =	vmul.f32 $3.100000000e+01, v27  }
0x268: {  	v34 =	vor.u32 v3, v34;
	v32 =	vmul.f32 $3.100000000e+01, v32;
	v21 =	vtrunc.f32 v21  }
0x269: {  	v30 =	vtrunc.f32 v30;
	v33 =	vtrunc.f32 v33;
	v37 =	vor.u32 v4, v28  }
0x26a: {  	v39 =	vor.u32 v5, v31;
	v24 =	vtrunc.f32 v24;
	v23 =	vtrunc.f32 v23  }
0x26b: {  	v40 =	vor.u32 v6, v25;
	s7 =	sadd.s32 $0x80, s7;
	v31 =	vtrunc.f32 v27;
	v32 =	vtrunc.f32 v32;
	[tilespmem:v35+s21+$0x0] =	vst.idx.msk $0xffff, v10  }
0x26c: {  	v25 =	vcvt.f32.s32 v30;
	v28 =	vor.u32 v7, v29;
	v21 =	vcvt.f32.s32 v21;
	[tilespmem:s7+$0x30] =	vst v26  }
0x26d: {  	v30 =	vcvt.f32.s32 v24;
	v27 =	vor.u32 v8, v22;
	v29 =	vcvt.f32.s32 v33;
	[tilespmem:v36+s21+$0x0] =	vst.idx.msk $0xffff, v10  }
0x26e: {  	v22 =	vshll.u32 v21, $0xA;
	v26 =	vcvt.f32.s32 v23;
	v23 =	vcvt.f32.s32 v31;
	[tilespmem:s4+$0xFFFFFFC0] =	vst v19;
	v19 =	vmovc v21  }
0x26f: {  	v24 =	vshll.u32 v25, $0xA;
	v31 =	vshll.u32 v29, $0xA;
	v21 =	vcvt.f32.s32 v32;
	[tilespmem:v34+s21+$0x0] =	vst.idx.msk $0xffff, v10  }
0x270: {  	v32 =	vshll.u32 v30, $0xA;
	v33 =	vshll.u32 v26, $0xA;
	v41 =	vshll.u32 v23, $0xA;
	[tilespmem:s4+$0xFFFFFFD0] =	vst v18;
	v18 =	vmovc v25  }
.Ltmp10:
0x271: {  	v36 =	vand.u32 $0xFFFFE000, v22;
	v34 =	vand.u32 $0xFFFFE000, v24;
	v22 =	vshll.u32 v21, $0xA;
	[tilespmem:v37+s21+$0x0] =	vst.idx.msk $0xffff, v10;
	(pc) =	sbr.rel @p1 .LBB2_20-.Ltmp10, $4  }
0x272: {  	v35 =	vand.u32 $0xFFFFE000, v31;
	v31 =	vand.u32 $0xFFFFE000, v32;
	v25 =	vand.u32 $0xFFFFE000, v33;
	[tilespmem:s4+$0xFFFFFFE0] =	vst v17;
	v17 =	vmovc v29  }
0x273: {  	v38 =	vshll.u32 v19, $0x7;
	v24 =	vand.u32 $0xFFFFE000, v22;
	v29 =	vand.u32 $0xFFFFE000, v41;
	[tilespmem:v39+s21+$0x0] =	vst.idx.msk $0xffff, v10  }
0x274: {  	v32 =	vshll.u32 v30, $0x7;
	v39 =	vshll.u32 v18, $0x7;
	v37 =	vshll.u32 v17, $0x7;
	[tilespmem:s4+$0xFFFFFFF0] =	vst v16;
	v16 =	vmovc v30  }
0x275: {  	s13 =	sadd.s32 $0x400, s13;
	v33 =	vshll.u32 v26, $0x7;
	v22 =	vshll.u32 v21, $0x7;
	v30 =	vshll.u32 v23, $0x7;
	[tilespmem:v40+s21+$0x0] =	vst.idx.msk $0xffff, v10  }
0x276: {  	_ =	sdelay $0x1  }
0x277: {  	v36 =	vor.u32 v36, v20;
	v38 =	vand.u32 $0x380, v38  }
0x278: {  	v34 =	vadd.s32 v20, v34;
	[tilespmem:s4+$0x0] =	vst v15;
	v15 =	vand.u32 $0x380, v39;
	v36 =	vor.u32 v38, v36  }
0x279: {  	[tilespmem:v28+s21+$0x0] =	vst.idx.msk $0xffff, v10;
	v15 =	vor.u32 v15, v34;
	v36 =	vor.u32 v1, v36  }
0x27a: {  	[tilespmem:s4+$0x10] =	vst v13;
	v13 =	vor.u32 v3, v15  }
0x27b: {  	v53 =	vadd.s32 v20, v35;
	v54 =	vand.u32 $0x380, v37  }
0x27c: {  	[tilespmem:v27+s21+$0x0] =	vst.idx.msk $0xffff, v10;
	v15 =	vor.u32 v54, v53  }
0x27d: {  	v27 =	vadd.s32 v20, v31;
	v55 =	vand.u32 $0x380, v32;
	[tilespmem:s4+$0x20] =	vst v14;
	v14 =	vor.u32 v4, v15  }
0x27e: {  	v15 =	vor.u32 v55, v27;
	[tilespmem:v36+s21+$0x0] =	vst.idx.msk $0xffff, v10  }
0x27f: {  	v25 =	vadd.s32 v20, v25;
	v27 =	vand.u32 $0x380, v33;
	v15 =	vor.u32 v5, v15;
	[tilespmem:v13+s21+$0x0] =	vst.idx.msk $0xffff, v10  }
0x280: {  	[tilespmem:s7+$0xFFFFFFC0] =	vst v19;
	v19 =	vor.u32 v27, v25  }
0x281: {  	v13 =	vadd.s32 v20, v29;
	v25 =	vand.u32 $0x380, v30;
	[tilespmem:s7+$0xFFFFFFD0] =	vst v18;
	v19 =	vor.u32 v6, v19  }
0x282: {  	[tilespmem:v14+s21+$0x0] =	vst.idx.msk $0xffff, v10;
	v14 =	vadd.s32 v20, v24;
	v18 =	vand.u32 $0x380, v22;
	v13 =	vor.u32 v25, v13  }
0x283: {  	[tilespmem:s7+$0xFFFFFFE0] =	vst v17;
	v14 =	vor.u32 v18, v14;
	v13 =	vor.u32 v7, v13  }
0x284: {  	[tilespmem:v15+s21+$0x0] =	vst.idx.msk $0xffff, v10;
	v14 =	vor.u32 v8, v14  }
0x285: {  	[tilespmem:s7+$0xFFFFFFF0] =	vst v16  }
0x286: {  	[tilespmem:v19+s21+$0x0] =	vst.idx.msk $0xffff, v10  }
0x287: {  	[tilespmem:s7+$0x0] =	vst v26  }
0x288: {  	[tilespmem:v13+s21+$0x0] =	vst.idx.msk $0xffff, v10  }
0x289: {  	[tilespmem:v14+s21+$0x0] =	vst.idx.msk $0xffff, v10  }
0x28a: {  	[tilespmem:s7+$0x10] =	vst v23  }
0x28b: {  	[tilespmem:s7+$0x20] =	vst v21  }
0x28c: {  	[hbm4b:s5+s19] =	stream.strided.scatter [tilespmem:s21], [sflag:$0x1], $0x8000, s20, s19, $0x38;
	[tilespmem:$0x19000] =	vst v63  }
0x28d: {  	_ =	swait.ge [sflag:s25], $0x8000  }
0x28e: {  	[sflag:s25] =	ssyncset.done $0x0  }
0x28f: {  	s4 =	simm.s32 $0x18440;
	[sflag:s25] =	ssyncadd.s32 $0xFFFF8000  }
0x290: {  	v13 =	vld [tilespmem:s4+$0x30]  }
0x291: {  	v14 =	vld [tilespmem:s4+$0xFFFFFFD0]  }
0x292: {  	v17 =	vld [tilespmem:s4+$0xFFFFFFE0]  }
0x293: {  	s7 =	simm.s32 $0x0;
	v18 =	vld [tilespmem:s4+$0xFFFFFFF0]  }
0x294: {  	v15 =	vmov s7;
	v19 =	vld [tilespmem:s4+$0x0]  }
0x295: {  	v15 =	vshrl.u32 v15, $0x7;
	v22 =	vld [tilespmem:s4+$0x20]  }
0x296: {  	v15 =	vshll.u32 v15, $0xA;
	v23 =	vld [tilespmem:s4+$0xFFFFFFC0]  }
0x297: {  	v16 =	vbroadcast v15, $0x0;
	v15 =	vld [tilespmem:s4+$0x10]  }
0x298: {  	v20 =	vshll.u32 v13, $0xA  }
0x299: {  	v21 =	vshll.u32 v14, $0xA;
	v13 =	vshll.u32 v13, $0x7;
	v24 =	vshll.u32 v17, $0xA  }
0x29a: {  	v25 =	vshll.u32 v18, $0xA;
	v27 =	vshll.u32 v14, $0x7;
	v14 =	vshll.u32 v22, $0xA  }
0x29b: {  	v56 =	vshll.u32 v23, $0xA;
	v23 =	vshll.u32 v23, $0x7;
	v58 =	vshll.u32 v17, $0x7  }
0x29c: {  	v59 =	vshll.u32 v18, $0x7;
	v60 =	vshll.u32 v19, $0x7;
	v61 =	vshll.u32 v15, $0x7  }
0x29d: {  	v62 =	vshll.u32 v22, $0x7;
	v20 =	vand.u32 $0xFFFFE000, v20;
	v13 =	vand.u32 $0x380, v13  }
0x29e: {  	v21 =	vand.u32 $0xFFFFE000, v21;
	v57 =	vand.u32 $0xFFFFE000, v14;
	v14 =	vand.u32 $0xFFFFE000, v56  }
0x29f: {  	v23 =	vand.u32 $0x380, v23;
	v22 =	vand.u32 $0x380, v59;
	v20 =	vadd.s32 v16, v20  }
0x2a0: {  	v63 =	vor.u32 v14, v16;
	v13 =	vor.u32 v13, v20;
	v20 =	vand.u32 $0xFFFFE000, v24  }
0x2a1: {  	v24 =	vshll.u32 v19, $0xA;
	v19 =	vadd.s32 v16, v21;
	v26 =	vor.u32 v9, v13  }
0x2a2: {  	v21 =	vand.u32 $0x380, v27;
	v13 =	vand.u32 $0xFFFFE000, v25;
	v24 =	vand.u32 $0xFFFFE000, v24  }
0x2a3: {  	v25 =	vshll.u32 v15, $0xA;
	v17 =	vadd.s32 v16, v20;
	v15 =	vadd.s32 v16, v57  }
0x2a4: {  	v20 =	vand.u32 $0x380, v60;
	v25 =	vand.u32 $0xFFFFE000, v25;
	v18 =	vadd.s32 v16, v13  }
0x2a5: {  	v14 =	vadd.s32 v16, v24;
	v24 =	vor.u32 v23, v63;
	v23 =	vand.u32 $0x380, v62  }
0x2a6: {  	s10 =	simm.s32 $0x0;
	s11 =	simm.s32 $0x184C0;
	s5 =	sadd.s32 s18, s8;
	v13 =	vadd.s32 v16, v25;
	v25 =	vand.u32 $0x380, v58;
	[tilespmem:v26+s22+$0x0] =	vst.idx.msk $0xffff, v0;
	v26 =	vand.u32 $0x380, v61  }
.LBB2_22:
0x2a7: {  	v27 =	vld [tilespmem:s11+$0x30];
	s10 =	sadd.s32 $0x8, s10;
	v19 =	vor.u32 v21, v19;
	v17 =	vor.u32 v25, v17;
	v18 =	vor.u32 v22, v18  }
0x2a8: {  	v14 =	vor.u32 v20, v14;
	v13 =	vor.u32 v26, v13;
	v15 =	vor.u32 v23, v15;
	s7 =	sadd.s32 $0x80, s7;
	v21 =	vld [tilespmem:s11+$0xFFFFFFD0];
	p1 =	slt.u32 s10, $0x38  }
0x2a9: {  	v23 =	vor.u32 v1, v24;
	v20 =	vmov s7;
	v19 =	vor.u32 v3, v19;
	v22 =	vld [tilespmem:s11+$0xFFFFFFE0]  }
0x2aa: {  	v17 =	vor.u32 v4, v17;
	v18 =	vor.u32 v5, v18;
	v20 =	vshrl.u32 v20, $0x7;
	v24 =	vld [tilespmem:s11+$0xFFFFFFF0]  }
0x2ab: {  	v14 =	vor.u32 v6, v14;
	v13 =	vor.u32 v7, v13;
	v20 =	vshll.u32 v20, $0xA;
	v25 =	vld [tilespmem:s11+$0x0]  }
0x2ac: {  	v15 =	vor.u32 v8, v15;
	v20 =	vbroadcast v20, $0x0;
	v26 =	vld [tilespmem:s11+$0x10];
	v28 =	vshll.u32 v27, $0xA  }
0x2ad: {  	v27 =	vshll.u32 v27, $0x7;
	v29 =	vshll.u32 v21, $0xA;
	v30 =	vld [tilespmem:s11+$0x20];
	v28 =	vand.u32 $0xFFFFE000, v28  }
0x2ae: {  	v27 =	vand.u32 $0x380, v27;
	v31 =	vld [tilespmem:s11+$0xFFFFFFC0];
	v32 =	vshll.u32 v22, $0xA;
	v28 =	vadd.s32 v20, v28;
	[tilespmem:v23+s22+$0x0] =	vst.idx.msk $0xffff, v0  }
0x2af: {  	v23 =	vand.u32 $0xFFFFE000, v29;
	v29 =	vshll.u32 v24, $0xA;
	v27 =	vor.u32 v27, v28;
	[tilespmem:v19+s22+$0x0] =	vst.idx.msk $0xffff, v0  }
0x2b0: {  	v28 =	vand.u32 $0xFFFFE000, v32;
	v19 =	vshll.u32 v25, $0xA;
	v27 =	vor.u32 v9, v27;
	[tilespmem:v17+s22+$0x0] =	vst.idx.msk $0xffff, v0  }
0x2b1: {  	v29 =	vand.u32 $0xFFFFE000, v29;
	v32 =	vand.u32 $0xFFFFE000, v19;
	v17 =	vshll.u32 v26, $0xA;
	[tilespmem:v18+s22+$0x0] =	vst.idx.msk $0xffff, v0  }
0x2b2: {  	v21 =	vshll.u32 v21, $0x7;
	v33 =	vand.u32 $0xFFFFE000, v17;
	v17 =	vshll.u32 v30, $0xA;
	[tilespmem:v14+s22+$0x0] =	vst.idx.msk $0xffff, v0  }
0x2b3: {  	v14 =	vshll.u32 v31, $0xA;
	v31 =	vshll.u32 v31, $0x7;
	v34 =	vand.u32 $0xFFFFE000, v17;
	[tilespmem:v13+s22+$0x0] =	vst.idx.msk $0xffff, v0  }
0x2b4: {  	v22 =	vshll.u32 v22, $0x7;
	v24 =	vshll.u32 v24, $0x7;
	v13 =	vand.u32 $0xFFFFE000, v14;
	[tilespmem:v15+s22+$0x0] =	vst.idx.msk $0xffff, v0  }
0x2b5: {  	v35 =	vshll.u32 v25, $0x7;
	v26 =	vshll.u32 v26, $0x7;
	v30 =	vshll.u32 v30, $0x7;
	[tilespmem:v27+s22+$0x0] =	vst.idx.msk $0xffff, v0  }
.Ltmp11:
0x2b6: {  	v19 =	vadd.s32 v20, v23;
	v17 =	vadd.s32 v20, v28;
	v27 =	vor.u32 v13, v20;
	(pc) =	sbr.rel @p1 .LBB2_22-.Ltmp11, $4  }
0x2b7: {  	v18 =	vadd.s32 v20, v29;
	v14 =	vadd.s32 v20, v32;
	v13 =	vadd.s32 v20, v33  }
0x2b8: {  	v21 =	vand.u32 $0x380, v21;
	v23 =	vand.u32 $0x380, v31;
	v15 =	vadd.s32 v20, v34  }
0x2b9: {  	v25 =	vand.u32 $0x380, v22;
	v22 =	vand.u32 $0x380, v24;
	v20 =	vand.u32 $0x380, v35  }
0x2ba: {  	s11 =	sadd.s32 $0x80, s11;
	v26 =	vand.u32 $0x380, v26;
	v24 =	vor.u32 v23, v27;
	v23 =	vand.u32 $0x380, v30  }
0x2bb: {  	v19 =	vor.u32 v21, v19;
	v21 =	vor.u32 v1, v24  }
0x2bc: {  	v17 =	vor.u32 v25, v17;
	v19 =	vor.u32 v3, v19  }
0x2bd: {  	v18 =	vor.u32 v22, v18;
	v17 =	vor.u32 v4, v17  }
0x2be: {  	v14 =	vor.u32 v20, v14;
	v18 =	vor.u32 v5, v18  }
0x2bf: {  	v13 =	vor.u32 v26, v13;
	v14 =	vor.u32 v6, v14  }
0x2c0: {  	v15 =	vor.u32 v23, v15;
	v13 =	vor.u32 v7, v13;
	[tilespmem:v21+s22+$0x0] =	vst.idx.msk $0xffff, v0  }
0x2c1: {  	v15 =	vor.u32 v8, v15;
	[tilespmem:v19+s22+$0x0] =	vst.idx.msk $0xffff, v0  }
0x2c2: {  	[tilespmem:v17+s22+$0x0] =	vst.idx.msk $0xffff, v0  }
0x2c3: {  	[tilespmem:v18+s22+$0x0] =	vst.idx.msk $0xffff, v0  }
0x2c4: {  	[tilespmem:v14+s22+$0x0] =	vst.idx.msk $0xffff, v0  }
0x2c5: {  	[tilespmem:v13+s22+$0x0] =	vst.idx.msk $0xffff, v0  }
0x2c6: {  	[tilespmem:v15+s22+$0x0] =	vst.idx.msk $0xffff, v0  }
0x2c7: {  	v13 =	vld [tilespmem:s3+$0x0]  }
0x2c8: {  	v14 =	vld [tilespmem:s3+$0xFFFFFFA0]  }
0x2c9: {  	v15 =	vld [tilespmem:s3+$0xFFFFFFB0]  }
0x2ca: {  	v17 =	vld [tilespmem:s3+$0xFFFFFFC0]  }
0x2cb: {  	v18 =	vld [tilespmem:s3+$0xFFFFFFD0]  }
0x2cc: {  	s13 =	sadd.s32 $0x400, s3;
	v19 =	vld [tilespmem:s3+$0xFFFFFF90]  }
0x2cd: {  	v37 =	vld [tilespmem:s13+$0x0]  }
0x2ce: {  	v20 =	vld [tilespmem:s3+$0xFFFFFFE0]  }
0x2cf: {  	v21 =	vld [tilespmem:s3+$0xFFFFFFF0];
	v13 =	vsub.f32 v13, v11;
	v14 =	vsub.f32 v14, v11  }
0x2d0: {  	v15 =	vsub.f32 v15, v11;
	v17 =	vsub.f32 v17, v11  }
0x2d1: {  	v18 =	vsub.f32 v18, v11;
	v19 =	vsub.f32 v19, v11;
	v13 =	vmul.f32 v13, v12  }
0x2d2: {  	v37 =	vsub.f32 v37, v11;
	v14 =	vmul.f32 v14, v12;
	v15 =	vmul.f32 v15, v12  }
0x2d3: {  	v22 =	vmul.f32 v17, v12;
	v17 =	vsub.f32 v20, v11;
	v19 =	vmul.f32 v19, v12  }
0x2d4: {  	v20 =	vsub.f32 v21, v11;
	v18 =	vmul.f32 v18, v12;
	v13 =	vsub.f32 $1.000000000e+00, v13  }
0x2d5: {  	v37 =	vmul.f32 v37, v12;
	v14 =	vsub.f32 $1.000000000e+00, v14;
	v19 =	vsub.f32 $1.000000000e+00, v19  }
0x2d6: {  	v39 =	vld [tilespmem:s13+$0xFFFFFFB0];
	v15 =	vsub.f32 $1.000000000e+00, v15;
	v21 =	vmul.f32 v17, v12;
	v20 =	vmul.f32 v20, v12  }
0x2d7: {  	v40 =	vld [tilespmem:s13+$0xFFFFFFD0];
	v18 =	vsub.f32 $1.000000000e+00, v18;
	v13 =	vmul.f32 $3.100000000e+01, v13;
	v19 =	vmul.f32 $3.100000000e+01, v19  }
0x2d8: {  	v21 =	vsub.f32 $1.000000000e+00, v21;
	v14 =	vmul.f32 $3.100000000e+01, v14;
	v15 =	vmul.f32 $3.100000000e+01, v15  }
0x2d9: {  	s10 =	simm.s32 $0x80;
	v20 =	vsub.f32 $1.000000000e+00, v20;
	v18 =	vmul.f32 $3.100000000e+01, v18;
	v13 =	vtrunc.f32 v13  }
0x2da: {  	v53 =	vmov s10;
	v21 =	vmul.f32 $3.100000000e+01, v21;
	v19 =	vtrunc.f32 v19  }
0x2db: {  	v50 =	vsub.f32 v39, v11;
	v20 =	vmul.f32 $3.100000000e+01, v20;
	v14 =	vtrunc.f32 v14  }
0x2dc: {  	v51 =	vsub.f32 v40, v11;
	v15 =	vtrunc.f32 v15;
	v18 =	vtrunc.f32 v18  }
0x2dd: {  	v52 =	vsub.f32 $1.000000000e+00, v37;
	v17 =	vcvt.f32.s32 v13;
	v25 =	vcvt.f32.s32 v14  }
0x2de: {  	v13 =	vsub.f32 $1.000000000e+00, v22;
	v24 =	vcvt.f32.s32 v15;
	v15 =	vcvt.f32.s32 v18  }
0x2df: {  	v37 =	vshrl.u32 v53, $0x7;
	v26 =	vtrunc.f32 v21;
	v20 =	vtrunc.f32 v20  }
0x2e0: {  	v37 =	vshll.u32 v37, $0xA;
	v21 =	vcvt.f32.s32 v19;
	v13 =	vmul.f32 $3.100000000e+01, v13  }
0x2e1: {  	v22 =	vshll.u32 v17, $0xA;
	v23 =	vshll.u32 v17, $0x7;
	v18 =	vshll.u32 v25, $0xA  }
0x2e2: {  	v14 =	vcvt.f32.s32 v20;
	v27 =	vshll.u32 v15, $0xA;
	v31 =	vshll.u32 v25, $0x7  }
0x2e3: {  	v32 =	vshll.u32 v24, $0x7;
	v34 =	vshll.u32 v15, $0x7;
	v22 =	vand.u32 $0xFFFFE000, v22  }
0x2e4: {  	v23 =	vand.u32 $0x380, v23;
	v18 =	vand.u32 $0xFFFFE000, v18;
	v27 =	vand.u32 $0xFFFFE000, v27  }
0x2e5: {  	v38 =	vld [tilespmem:s13+$0xFFFFFFA0];
	v30 =	vshll.u32 v21, $0x7;
	v31 =	vand.u32 $0x380, v31;
	v32 =	vand.u32 $0x380, v32  }
0x2e6: {  	v48 =	vld [tilespmem:s13+$0xFFFFFFE0];
	v34 =	vand.u32 $0x380, v34;
	v22 =	vadd.s32 v16, v22;
	v13 =	vtrunc.f32 v13  }
0x2e7: {  	v29 =	vshll.u32 v14, $0xA;
	v36 =	vshll.u32 v14, $0x7;
	v18 =	vadd.s32 v16, v18  }
0x2e8: {  	v27 =	vadd.s32 v16, v27;
	v30 =	vand.u32 $0x380, v30;
	v22 =	vor.u32 v23, v22  }
0x2e9: {  	v23 =	vshll.u32 v21, $0xA;
	v29 =	vand.u32 $0xFFFFE000, v29;
	v47 =	vand.u32 $0x380, v36  }
0x2ea: {  	v18 =	vor.u32 v31, v18;
	v31 =	vsub.f32 v38, v11;
	v27 =	vor.u32 v34, v27  }
0x2eb: {  	v36 =	vsub.f32 v48, v11;
	v34 =	vmul.f32 v51, v12;
	v19 =	vor.u32 v9, v22  }
0x2ec: {  	v22 =	vcvt.f32.s32 v13;
	v13 =	vcvt.f32.s32 v26;
	v26 =	vshll.u32 v24, $0xA  }
0x2ed: {  	v23 =	vand.u32 $0xFFFFE000, v23;
	v57 =	vor.u32 v3, v18;
	v59 =	vor.u32 v6, v27  }
0x2ee: {  	v49 =	vld [tilespmem:s13+$0xFFFFFFF0];
	v26 =	vand.u32 $0xFFFFE000, v26;
	v23 =	vor.u32 v23, v16;
	v36 =	vmul.f32 v36, v12  }
0x2ef: {  	v34 =	vsub.f32 $1.000000000e+00, v34;
	v20 =	vshll.u32 v22, $0xA;
	v28 =	vshll.u32 v13, $0xA  }
0x2f0: {  	v33 =	vshll.u32 v22, $0x7;
	v35 =	vshll.u32 v13, $0x7;
	v26 =	vadd.s32 v16, v26  }
0x2f1: {  	v23 =	vor.u32 v30, v23;
	v20 =	vand.u32 $0xFFFFE000, v20;
	v28 =	vand.u32 $0xFFFFE000, v28  }
0x2f2: {  	v33 =	vand.u32 $0x380, v33;
	v30 =	vand.u32 $0x380, v35;
	v26 =	vor.u32 v32, v26  }
0x2f3: {  	v32 =	vsub.f32 v49, v11;
	v35 =	vmul.f32 $3.100000000e+01, v52;
	v36 =	vsub.f32 $1.000000000e+00, v36  }
0x2f4: {  	v34 =	vmul.f32 $3.100000000e+01, v34;
	v23 =	vor.u32 v1, v23;
	v28 =	vadd.s32 v16, v28  }
0x2f5: {  	v20 =	vadd.s32 v16, v20;
	v16 =	vadd.s32 v16, v29;
	v28 =	vor.u32 v30, v28  }
0x2f6: {  	v29 =	vld [tilespmem:s13+$0xFFFFFFC0];
	v30 =	vmul.f32 v31, v12;
	v31 =	vor.u32 v47, v16;
	v16 =	vmul.f32 v50, v12  }
0x2f7: {  	v33 =	vor.u32 v33, v20;
	v32 =	vmul.f32 v32, v12;
	v35 =	vtrunc.f32 v35  }
0x2f8: {  	v20 =	vld [tilespmem:s13+$0xFFFFFF90];
	v36 =	vmul.f32 $3.100000000e+01, v36;
	v35 =	vcvt.f32.s32 v35;
	v33 =	vor.u32 v5, v33  }
0x2f9: {  	v28 =	vor.u32 v7, v28;
	v27 =	vor.u32 v8, v31;
	v30 =	vsub.f32 $1.000000000e+00, v30  }
0x2fa: {  	v16 =	vsub.f32 $1.000000000e+00, v16;
	v32 =	vsub.f32 $1.000000000e+00, v32;
	v58 =	vtrunc.f32 v36  }
0x2fb: {  	v55 =	vshll.u32 v35, $0xA;
	[tilespmem:v23+s22+$0x0] =	vst.idx.msk $0xffff, v10;
	v23 =	vcvt.f32.s32 v58;
	v29 =	vsub.f32 v29, v11  }
0x2fc: {  	v56 =	vshll.u32 v35, $0x7;
	v30 =	vmul.f32 $3.100000000e+01, v30;
	v16 =	vmul.f32 $3.100000000e+01, v16  }
0x2fd: {  	v32 =	vmul.f32 $3.100000000e+01, v32;
	v20 =	vsub.f32 v20, v11;
	v29 =	vmul.f32 v29, v12  }
0x2fe: {  	v39 =	vand.u32 $0x380, v56;
	v18 =	vtrunc.f32 v30;
	v16 =	vtrunc.f32 v16  }
0x2ff: {  	[tilespmem:v19+s22+$0x0] =	vst.idx.msk $0xffff, v10;
	v30 =	vor.u32 v4, v26;
	v32 =	vtrunc.f32 v32;
	v20 =	vmul.f32 v20, v12  }
0x300: {  	[tilespmem:s4+$0x30] =	vst v17;
	v63 =	vshll.u32 v23, $0xA;
	v18 =	vcvt.f32.s32 v18;
	v17 =	vcvt.f32.s32 v16  }
0x301: {  	[tilespmem:s4+$0xFFFFFFC0] =	vst v21;
	v21 =	vcvt.f32.s32 v32;
	v29 =	vsub.f32 $1.000000000e+00, v29;
	v54 =	vsub.f32 $1.000000000e+00, v20  }
0x302: {  	[tilespmem:v33+s22+$0x0] =	vst.idx.msk $0xffff, v10;
	v20 =	vbroadcast v37, $0x0;
	v37 =	vand.u32 $0xFFFFE000, v55;
	v60 =	vshll.u32 v17, $0xA  }
0x303: {  	[tilespmem:s4+$0xFFFFFFF0] =	vst v22;
	v41 =	vshll.u32 v21, $0xA;
	v22 =	vshll.u32 v21, $0x7;
	v29 =	vmul.f32 $3.100000000e+01, v29  }
0x304: {  	v37 =	vadd.s32 v20, v37;
	v38 =	vmul.f32 $3.100000000e+01, v54;
	[tilespmem:v30+s22+$0x0] =	vst.idx.msk $0xffff, v10;
	v30 =	vshll.u32 v23, $0x7  }
0x305: {  	v37 =	vor.u32 v39, v37;
	v26 =	vtrunc.f32 v29;
	v29 =	vtrunc.f32 v34  }
0x306: {  	[tilespmem:s4+$0xFFFFFFE0] =	vst v24;
	v24 =	vand.u32 $0xFFFFE000, v41;
	v37 =	vor.u32 v9, v37;
	v38 =	vtrunc.f32 v38  }
0x307: {  	v16 =	vcvt.f32.s32 v26;
	v26 =	vcvt.f32.s32 v29;
	v29 =	vshll.u32 v18, $0xA  }
0x308: {  	[tilespmem:v57+s22+$0x0] =	vst.idx.msk $0xffff, v10;
	v39 =	vshll.u32 v18, $0x7;
	v19 =	vcvt.f32.s32 v38;
	v34 =	vand.u32 $0xFFFFE000, v29  }
0x309: {  	[tilespmem:v59+s22+$0x0] =	vst.idx.msk $0xffff, v10;
	v29 =	vand.u32 $0xFFFFE000, v63;
	v61 =	vshll.u32 v16, $0xA;
	v62 =	vshll.u32 v26, $0xA  }
0x30a: {  	[tilespmem:s4+$0xFFFFFFD0] =	vst v25;
	v32 =	vshll.u32 v16, $0x7;
	v33 =	vshll.u32 v26, $0x7;
	v31 =	vshll.u32 v19, $0xA  }
0x30b: {  	s7 =	simm.s32 $0x184C0;
	v25 =	vand.u32 $0xFFFFE000, v62;
	v38 =	vshll.u32 v19, $0x7;
	v36 =	vand.u32 $0xFFFFE000, v31;
	[tilespmem:v37+s22+$0x0] =	vst.idx.msk $0xffff, v10  }
0x30c: {  	s11 =	simm.s32 $0x8;
	s13 =	sadd.s32 $0x400, s13;
	v31 =	vand.u32 $0xFFFFE000, v61;
	v37 =	vshll.u32 v17, $0x7;
	[tilespmem:s7+$0x30] =	vst v35;
	v35 =	vand.u32 $0xFFFFE000, v60  }
.LBB2_24:
0x30d: {  	v40 =	vld [tilespmem:s13+$0x0];
	v36 =	vor.u32 v36, v20;
	v34 =	vadd.s32 v20, v34;
	v35 =	vadd.s32 v20, v35;
	[tilespmem:s4+$0x0] =	vst v15  }
0x30e: {  	s11 =	sadd.s32 $0x8, s11;
	v31 =	vadd.s32 v20, v31;
	v25 =	vadd.s32 v20, v25;
	v29 =	vadd.s32 v20, v29;
	v15 =	vmovc v26;
	v41 =	vld [tilespmem:s13+$0xFFFFFFA0]  }
0x30f: {  	v38 =	vand.u32 $0x380, v38;
	v39 =	vand.u32 $0x380, v39;
	v20 =	vadd.s32 v20, v24;
	p1 =	slt.u32 s11, $0x38;
	v26 =	vld [tilespmem:s13+$0xFFFFFFB0];
	[tilespmem:v28+s22+$0x0] =	vst.idx.msk $0xffff, v10  }
0x310: {  	v32 =	vand.u32 $0x380, v32;
	v33 =	vand.u32 $0x380, v33;
	v28 =	vand.u32 $0x380, v37;
	v24 =	vld [tilespmem:s13+$0xFFFFFFC0];
	[tilespmem:s4+$0x10] =	vst v13;
	v13 =	vmovc v23  }
0x311: {  	v30 =	vand.u32 $0x380, v30;
	v22 =	vand.u32 $0x380, v22;
	v36 =	vor.u32 v38, v36;
	v23 =	vld [tilespmem:s13+$0xFFFFFFD0];
	[tilespmem:v27+s22+$0x0] =	vst.idx.msk $0xffff, v10  }
0x312: {  	v34 =	vor.u32 v39, v34;
	v28 =	vor.u32 v28, v35;
	v27 =	vld [tilespmem:s13+$0xFFFFFFE0];
	v37 =	vsub.f32 v40, v11;
	[tilespmem:s4+$0x20] =	vst v14;
	s4 =	smov.u32 s7  }
0x313: {  	v31 =	vor.u32 v32, v31;
	v25 =	vor.u32 v33, v25;
	v14 =	vmovc v21;
	v35 =	vsub.f32 v41, v11;
	v38 =	vld [tilespmem:s13+$0xFFFFFFF0]  }
0x314: {  	v29 =	vor.u32 v30, v29;
	v21 =	vld [tilespmem:s13+$0xFFFFFF90];
	v26 =	vsub.f32 v26, v11;
	v32 =	vmul.f32 v37, v12  }
0x315: {  	v22 =	vor.u32 v22, v20;
	v30 =	vmul.f32 v35, v12;
	v24 =	vsub.f32 v24, v11  }
0x316: {  	v20 =	vmul.f32 v26, v12;
	v23 =	vsub.f32 v23, v11;
	v26 =	vsub.f32 $1.000000000e+00, v32  }
0x317: {  	v30 =	vsub.f32 $1.000000000e+00, v30;
	v24 =	vmul.f32 v24, v12;
	v27 =	vsub.f32 v27, v11  }
0x318: {  	v23 =	vmul.f32 v23, v12;
	v32 =	vsub.f32 v38, v11;
	v26 =	vmul.f32 $3.100000000e+01, v26  }
0x319: {  	s10 =	sadd.s32 $0x80, s10;
	v33 =	vsub.f32 $1.000000000e+00, v20;
	v21 =	vsub.f32 v21, v11;
	v27 =	vmul.f32 v27, v12  }
0x31a: {  	v20 =	vmov s10;
	v32 =	vmul.f32 v32, v12;
	v26 =	vtrunc.f32 v26  }
0x31b: {  	v20 =	vshrl.u32 v20, $0x7;
	v21 =	vmul.f32 v21, v12;
	v26 =	vcvt.f32.s32 v26  }
0x31c: {  	v24 =	vsub.f32 $1.000000000e+00, v24;
	v20 =	vshll.u32 v20, $0xA;
	v23 =	vsub.f32 $1.000000000e+00, v23  }
0x31d: {  	v20 =	vbroadcast v20, $0x0;
	v21 =	vsub.f32 $1.000000000e+00, v21;
	v35 =	vshll.u32 v26, $0xA  }
0x31e: {  	v27 =	vsub.f32 $1.000000000e+00, v27;
	v37 =	vshll.u32 v26, $0x7;
	v35 =	vand.u32 $0xFFFFE000, v35  }
0x31f: {  	v32 =	vsub.f32 $1.000000000e+00, v32;
	v37 =	vand.u32 $0x380, v37;
	v35 =	vadd.s32 v20, v35  }
0x320: {  	v30 =	vmul.f32 $3.100000000e+01, v30;
	v21 =	vmul.f32 $3.100000000e+01, v21;
	v35 =	vor.u32 v37, v35  }
0x321: {  	v33 =	vmul.f32 $3.100000000e+01, v33;
	v24 =	vmul.f32 $3.100000000e+01, v24;
	v35 =	vor.u32 v9, v35  }
0x322: {  	v36 =	vor.u32 v1, v36;
	v23 =	vmul.f32 $3.100000000e+01, v23;
	v27 =	vmul.f32 $3.100000000e+01, v27  }
0x323: {  	v34 =	vor.u32 v3, v34;
	v32 =	vmul.f32 $3.100000000e+01, v32;
	v21 =	vtrunc.f32 v21  }
0x324: {  	v30 =	vtrunc.f32 v30;
	v33 =	vtrunc.f32 v33;
	v37 =	vor.u32 v4, v28  }
0x325: {  	v39 =	vor.u32 v5, v31;
	v24 =	vtrunc.f32 v24;
	v23 =	vtrunc.f32 v23  }
0x326: {  	v40 =	vor.u32 v6, v25;
	s7 =	sadd.s32 $0x80, s7;
	v31 =	vtrunc.f32 v27;
	v32 =	vtrunc.f32 v32;
	[tilespmem:v35+s22+$0x0] =	vst.idx.msk $0xffff, v10  }
0x327: {  	v25 =	vcvt.f32.s32 v30;
	v28 =	vor.u32 v7, v29;
	v21 =	vcvt.f32.s32 v21;
	[tilespmem:s7+$0x30] =	vst v26  }
0x328: {  	v30 =	vcvt.f32.s32 v24;
	v27 =	vor.u32 v8, v22;
	v29 =	vcvt.f32.s32 v33;
	[tilespmem:v36+s22+$0x0] =	vst.idx.msk $0xffff, v10  }
0x329: {  	v22 =	vshll.u32 v21, $0xA;
	v26 =	vcvt.f32.s32 v23;
	v23 =	vcvt.f32.s32 v31;
	[tilespmem:s4+$0xFFFFFFC0] =	vst v19;
	v19 =	vmovc v21  }
0x32a: {  	v24 =	vshll.u32 v25, $0xA;
	v31 =	vshll.u32 v29, $0xA;
	v21 =	vcvt.f32.s32 v32;
	[tilespmem:v34+s22+$0x0] =	vst.idx.msk $0xffff, v10  }
0x32b: {  	v32 =	vshll.u32 v30, $0xA;
	v33 =	vshll.u32 v26, $0xA;
	v41 =	vshll.u32 v23, $0xA;
	[tilespmem:s4+$0xFFFFFFD0] =	vst v18;
	v18 =	vmovc v25  }
.Ltmp12:
0x32c: {  	v36 =	vand.u32 $0xFFFFE000, v22;
	v34 =	vand.u32 $0xFFFFE000, v24;
	v22 =	vshll.u32 v21, $0xA;
	[tilespmem:v37+s22+$0x0] =	vst.idx.msk $0xffff, v10;
	(pc) =	sbr.rel @p1 .LBB2_24-.Ltmp12, $4  }
0x32d: {  	v35 =	vand.u32 $0xFFFFE000, v31;
	v31 =	vand.u32 $0xFFFFE000, v32;
	v25 =	vand.u32 $0xFFFFE000, v33;
	[tilespmem:s4+$0xFFFFFFE0] =	vst v17;
	v17 =	vmovc v29  }
0x32e: {  	v38 =	vshll.u32 v19, $0x7;
	v24 =	vand.u32 $0xFFFFE000, v22;
	v29 =	vand.u32 $0xFFFFE000, v41;
	[tilespmem:v39+s22+$0x0] =	vst.idx.msk $0xffff, v10  }
0x32f: {  	v32 =	vshll.u32 v30, $0x7;
	v39 =	vshll.u32 v18, $0x7;
	v37 =	vshll.u32 v17, $0x7;
	[tilespmem:s4+$0xFFFFFFF0] =	vst v16;
	v16 =	vmovc v30  }
0x330: {  	s13 =	sadd.s32 $0x400, s13;
	v33 =	vshll.u32 v26, $0x7;
	v22 =	vshll.u32 v21, $0x7;
	v30 =	vshll.u32 v23, $0x7;
	[tilespmem:v40+s22+$0x0] =	vst.idx.msk $0xffff, v10  }
0x331: {  	_ =	sdelay $0x1  }
0x332: {  	v36 =	vor.u32 v36, v20;
	v38 =	vand.u32 $0x380, v38  }
0x333: {  	v34 =	vadd.s32 v20, v34;
	[tilespmem:s4+$0x0] =	vst v15;
	v15 =	vand.u32 $0x380, v39;
	v36 =	vor.u32 v38, v36  }
0x334: {  	[tilespmem:v28+s22+$0x0] =	vst.idx.msk $0xffff, v10;
	v15 =	vor.u32 v15, v34;
	v36 =	vor.u32 v1, v36  }
0x335: {  	[tilespmem:s4+$0x10] =	vst v13;
	v13 =	vor.u32 v3, v15  }
0x336: {  	v56 =	vadd.s32 v20, v35;
	v57 =	vand.u32 $0x380, v37  }
0x337: {  	[tilespmem:v27+s22+$0x0] =	vst.idx.msk $0xffff, v10;
	v15 =	vor.u32 v57, v56  }
0x338: {  	v58 =	vadd.s32 v20, v31;
	v59 =	vand.u32 $0x380, v32;
	[tilespmem:s4+$0x20] =	vst v14;
	v14 =	vor.u32 v4, v15  }
0x339: {  	v15 =	vor.u32 v59, v58;
	[tilespmem:v36+s22+$0x0] =	vst.idx.msk $0xffff, v10  }
0x33a: {  	v25 =	vadd.s32 v20, v25;
	v60 =	vand.u32 $0x380, v33;
	v15 =	vor.u32 v5, v15;
	[tilespmem:v13+s22+$0x0] =	vst.idx.msk $0xffff, v10  }
0x33b: {  	v61 =	vor.u32 v60, v25;
	[tilespmem:s7+$0xFFFFFFC0] =	vst v19  }
0x33c: {  	v62 =	vand.u32 $0x380, v30;
	v13 =	vadd.s32 v20, v29;
	v19 =	vor.u32 v6, v61;
	[tilespmem:s7+$0xFFFFFFD0] =	vst v18  }
0x33d: {  	v13 =	vor.u32 v62, v13;
	[tilespmem:v14+s22+$0x0] =	vst.idx.msk $0xffff, v10  }
0x33e: {  	v63 =	vand.u32 $0x380, v22;
	v14 =	vadd.s32 v20, v24;
	v13 =	vor.u32 v7, v13;
	[tilespmem:s7+$0xFFFFFFE0] =	vst v17  }
0x33f: {  	v14 =	vor.u32 v63, v14;
	[tilespmem:v15+s22+$0x0] =	vst.idx.msk $0xffff, v10  }
0x340: {  	v14 =	vor.u32 v8, v14;
	[tilespmem:s7+$0xFFFFFFF0] =	vst v16  }
0x341: {  	s16 =	sadd.s32 $0x1, s16;
	[tilespmem:v19+s22+$0x0] =	vst.idx.msk $0xffff, v10  }
0x342: {  	p1 =	sne.s32 s16, $0x8;
	[tilespmem:s7+$0x0] =	vst v26  }
.Ltmp13:
0x343: {  	[tilespmem:v13+s22+$0x0] =	vst.idx.msk $0xffff, v10;
	(pc) =	sbr.rel @p1 .LBB2_17-.Ltmp13, $4  }
0x344: {  	[tilespmem:s7+$0x10] =	vst v23  }
0x345: {  	[tilespmem:v14+s22+$0x0] =	vst.idx.msk $0xffff, v10  }
0x346: {  	s0 =	sadd.s32 $0x80, s0;
	s3 =	sadd.s32 $0x80, s3;
	[tilespmem:s7+$0x20] =	vst v21  }
0x347: {  	[hbm4b:s5+s19] =	stream.strided.scatter [tilespmem:s22], [sflag:$0x2], $0x8000, s20, s19, $0x38;
	[tilespmem:$0x19000] =	vst v63  }
.Ltmp14:
0x348: {  	(pc) =	sbr.rel @p0 .LBB2_28-.Ltmp14, $1  }
0x349: {  	_ =	sdelay $0x3  }
.Ltmp15:
0x34a: {  	(pc) =	sbr.rel .LBB2_6-.Ltmp15, $4  }
0x34b: {  	_ = 	snop  }
0x34c: {  	s0 =	sshll.u32 s29, $0xC  }
0x34d: {  	s29 =	sadd.s32 $0x1, s29;
	s0 =	sadd.s32 s15, s0  }
0x34e: {  	[tilespmem:s20], [sflag:$0x4] =	stream.linear.gather [hbm4b:s0+s2], $0x4000, $0x38;
	[tilespmem:$0x19000] =	vst v63  }
.LBB2_29:
0x34f: {  	_ =	sfence.sel $0x180000  }
0x350: {  	[bflag:$0x0] =	sbarrier.arrive $0xFFFF  }
0x351: {  	_ =	strace $0x90000047  }
0x352: {  	s0 =	stileid.u32;
	[bflag:$0x2] =	sbarrier.arrive $0xFFFF  }
0x353: {  	p0 =	sne.s32 s0, $0x0;
	s0 =	rddreg [dreg:$0x3]  }
0x354: {  	s0 =	sadd.s32 @!p0 $0x100000, s0  }
0x355: {  	[sflag:s0] =	ssyncadd.tile.s32 @!p0 $0x1;
	_ =	shalt  }
.Lfunc_end2:
_tile_overlayer_lowered:
.L_overlay_start_2:
0x356: {  	(tag) =	ssettag $0x2  }
0x357: {  	s0 =	rddreg [dreg:$0x0];
	s2 =	stileid.u32  }
0x358: {  	s1 =	rddreg [dreg:$0x1];
	p0 =	sne.s32 s2, $0x0  }
0x359: {  	s3 =	rddreg [dreg:$0x2];
	[bflag:$0x3] =	sbarrier.arrive $0xFFFF;
	s2 =	simm.s32 @!p0 $0x1C05  }
0x35a: {  	[timem:s3], [sflag:s2] =	dma.local @!p0 [hbm:s0], s1  }
0x35b: {  	s0 =	simm.s32 @!p0 $0x5  }
0x35c: {  	_ =	swait.ge @!p0 [sflag:s0], s1  }
0x35d: {  	s1 =	ssub.s32 @!p0 $0x0, s1;
	[sflag:s0] =	ssyncset.done @!p0 $0x0  }
0x35e: {  	[sflag:s0] =	ssyncadd.s32 @!p0 s1  }
0x35f: {  	[bflag:$0x3] =	sbarrier.arrive $0xFFFF  }
0x360: {  	_ =	shalt  }

</sc_bundles>
